<compile_context>
chip_gen: v7x
topology: tpu7x:2x2x1
jax: 0.10.2.dev20260603
libtpu: 0.0.44.dev20260713+nightly
codegen_flags: <defaults>
</compile_context>

<pallas_src>
import jax
import jax.numpy as jnp
from jax.experimental import pallas as pl

B = 8
N = 2048
IN_CH = 128
OUT_CH = 128


def _mlp(params, h):
    n = len(params)
    for i, (W, b) in enumerate(params):
        h = h @ W + b
        if i < n - 1:
            h = jax.nn.relu(h)
    return h


def _fps(pos, num_samples):
    n = pos.shape[0]

    def body(i, state):
        dists, far, idxs = state
        idxs = idxs.at[i].set(far)
        d = jnp.sum((pos - pos[far]) ** 2, axis=-1)
        dists = jnp.minimum(dists, d)
        far = jnp.argmax(dists).astype(jnp.int32)
        return (dists, far, idxs)

    state = (jnp.full((n,), 1e10, dtype=jnp.float32), jnp.array(0, dtype=jnp.int32), jnp.zeros((num_samples,), dtype=jnp.int32))
    _, _, idxs = jax.lax.fori_loop(0, num_samples, body, state)
    return idxs


def _sa(params, x, pos, ratio, r):
    s = max(int(pos.shape[0] * ratio), 1)
    idx = _fps(jax.lax.stop_gradient(pos), s)
    pos_dst = pos[idx]
    d2 = jnp.sum((jax.lax.stop_gradient(pos_dst)[:, None, :] - jax.lax.stop_gradient(pos)[None, :, :]) ** 2, axis=-1)
    k = min(64, pos.shape[0])
    negd, nidx = jax.lax.top_k(-d2, k)
    nmask = (-negd) < r * r
    rel = pos[nidx] - pos_dst[:, None, :]
    feat = jnp.concatenate([x[nidx], rel], axis=-1)
    msg = _mlp(params, feat)
    msg = jnp.where(nmask[:, :, None], msg, -jnp.inf)
    out = jnp.max(msg, axis=1)
    out = jnp.where(jnp.any(nmask, axis=1)[:, None], out, 0.0)
    return out, pos_dst


def _fp(params, x, pos, x_skip, pos_skip, k):
    d2 = jnp.sum((pos_skip[:, None, :] - pos[None, :, :]) ** 2, axis=-1)
    kk = min(k, pos.shape[0])
    _, idx = jax.lax.top_k(-jax.lax.stop_gradient(d2), kk)
    d2s = jnp.take_along_axis(d2, idx, axis=1)
    w = 1.0 / (jnp.sqrt(d2s + 1e-12) + 1e-08)
    interp = jnp.sum(x[idx] * w[:, :, None], axis=1) / (jnp.sum(w, axis=1, keepdims=True) + 1e-08)
    h = jnp.concatenate([interp, x_skip], axis=1)
    return _mlp(params, h)


def _backbone_one(x, pos, ps):
    sa1p, sa2p, sa3p, fp3p, fp2p, fp1p = ps
    s1x, s1pos = _sa(sa1p, x, pos, 0.5, 10.0)
    s2x, s2pos = _sa(sa2p, s1x, s1pos, 0.25, 20.0)
    s3x, s3pos = _sa(sa3p, s2x, s2pos, 0.1, 40.0)
    gfeat = jnp.max(s3x, axis=0)
    f3 = _fp(fp3p, s3x, s3pos, s2x, s2pos, 3)
    f2 = _fp(fp2p, f3, s2pos, s1x, s1pos, 3)
    f1 = _fp(fp1p, f2, s1pos, x, pos, 3)
    return f1, gfeat


def _copy_kernel(x_ref, o_ref):
    o_ref[...] = x_ref[...]


def kernel(x, pos, batch, sa1_params, sa2_params, sa3_params, fp3_params, fp2_params, fp1_params):
    xb = x.reshape(B, N, IN_CH)
    pb = pos.reshape(B, N, 3)
    ps = (sa1_params, sa2_params, sa3_params, fp3_params, fp2_params, fp1_params)
    f1, gfeat = jax.vmap(lambda a, b: _backbone_one(a, b, ps))(xb, pb)
    f1 = f1.reshape(B * N, OUT_CH)
    f1 = pl.pallas_call(
        _copy_kernel,
        out_shape=jax.ShapeDtypeStruct(f1.shape, f1.dtype),
    )(f1)
    return f1, gfeat

# --- scband reference (transcript-rebuilt; emitter-appended) ---
"""Pipeline reference for scband-point-net2-backbone-30631706755379 (READ-ONLY COPY).

The authoritative reference and input builder live on the scoring server;
editing this copy changes nothing except your own understanding.
"""

import jax, jax.numpy as jnp
import numpy as np

B = 8
N = 2048
IN_CH = 128
HID = 64
OUT_CH = 128


def _mlp_params(key, dims):
    params = []
    for i in range(len(dims) - 1):
        k = jax.random.fold_in(key, i)
        W = jax.random.normal(k, (dims[i], dims[i + 1]), dtype=jnp.float32) * (2.0 / dims[i]) ** 0.5
        b = jnp.zeros((dims[i + 1],), dtype=jnp.float32)
        params.append((W, b))
    return params


def _mlp(params, h):
    n = len(params)
    for i, (W, b) in enumerate(params):
        h = h @ W + b
        if i < n - 1:
            h = jax.nn.relu(h)
    return h


def _fps(pos, num_samples):
    n = pos.shape[0]

    def body(i, state):
        dists, far, idxs = state
        idxs = idxs.at[i].set(far)
        d = jnp.sum((pos - pos[far]) ** 2, axis=-1)
        dists = jnp.minimum(dists, d)
        far = jnp.argmax(dists).astype(jnp.int32)
        return (dists, far, idxs)

    state = (jnp.full((n,), 1e10, dtype=jnp.float32), jnp.array(0, dtype=jnp.int32), jnp.zeros((num_samples,), dtype=jnp.int32))
    _, _, idxs = jax.lax.fori_loop(0, num_samples, body, state)
    return idxs


def _sa(params, x, pos, ratio, r):
    s = max(int(pos.shape[0] * ratio), 1)
    idx = _fps(jax.lax.stop_gradient(pos), s)
    pos_dst = pos[idx]
    d2 = jnp.sum((jax.lax.stop_gradient(pos_dst)[:, None, :] - jax.lax.stop_gradient(pos)[None, :, :]) ** 2, axis=-1)
    k = min(64, pos.shape[0])
    negd, nidx = jax.lax.top_k(-d2, k)
    nmask = (-negd) < r * r
    rel = pos[nidx] - pos_dst[:, None, :]
    feat = jnp.concatenate([x[nidx], rel], axis=-1)
    msg = _mlp(params, feat)
    msg = jnp.where(nmask[:, :, None], msg, -jnp.inf)
    out = jnp.max(msg, axis=1)
    out = jnp.where(jnp.any(nmask, axis=1)[:, None], out, 0.0)
    return out, pos_dst


def _fp(params, x, pos, x_skip, pos_skip, k):
    d2 = jnp.sum((pos_skip[:, None, :] - pos[None, :, :]) ** 2, axis=-1)
    kk = min(k, pos.shape[0])
    _, idx = jax.lax.top_k(-jax.lax.stop_gradient(d2), kk)
    d2s = jnp.take_along_axis(d2, idx, axis=1)
    w = 1.0 / (jnp.sqrt(d2s + 1e-12) + 1e-08)
    interp = jnp.sum(x[idx] * w[:, :, None], axis=1) / (jnp.sum(w, axis=1, keepdims=True) + 1e-08)
    h = jnp.concatenate([interp, x_skip], axis=1)
    return _mlp(params, h)


def _backbone_one(x, pos, ps):
    sa1p, sa2p, sa3p, fp3p, fp2p, fp1p = ps
    s1x, s1pos = _sa(sa1p, x, pos, 0.5, 10.0)
    s2x, s2pos = _sa(sa2p, s1x, s1pos, 0.25, 20.0)
    s3x, s3pos = _sa(sa3p, s2x, s2pos, 0.1, 40.0)
    gfeat = jnp.max(s3x, axis=0)
    f3 = _fp(fp3p, s3x, s3pos, s2x, s2pos, 3)
    f2 = _fp(fp2p, f3, s2pos, s1x, s1pos, 3)
    f1 = _fp(fp1p, f2, s1pos, x, pos, 3)
    return f1, gfeat


def setup_inputs(seed: int = 0):
    key = jax.random.key(seed)
    kx, kp = jax.random.split(key, 2)
    x = jax.random.normal(kx, (B * N, IN_CH), dtype=jnp.float32)
    pos = jax.random.normal(kp, (B * N, 3), dtype=jnp.float32)
    batch = jnp.repeat(jnp.arange(B, dtype=jnp.int32), N)
    h = HID
    return {
        'x': x,
        'pos': pos,
        'batch': batch,
        'sa1_params': _mlp_params(jax.random.fold_in(key, 10), [3 + IN_CH, h, h, h * 2]),
        'sa2_params': _mlp_params(jax.random.fold_in(key, 11), [3 + h * 2, h * 2, h * 2, h * 4]),
        'sa3_params': _mlp_params(jax.random.fold_in(key, 12), [3 + h * 4, h * 4, h * 8, h * 8]),
        'fp3_params': _mlp_params(jax.random.fold_in(key, 13), [h * 8 + h * 4, h * 4, h * 4]),
        'fp2_params': _mlp_params(jax.random.fold_in(key, 14), [h * 4 + h * 2, h * 4, h * 2]),
        'fp1_params': _mlp_params(jax.random.fold_in(key, 15), [h * 2 + IN_CH, h * 2, OUT_CH]),
    }


def reference(x, pos, batch, sa1_params, sa2_params, sa3_params, fp3_params, fp2_params, fp1_params):
    xb = x.reshape(B, N, IN_CH)
    pb = pos.reshape(B, N, 3)
    ps = (sa1_params, sa2_params, sa3_params, fp3_params, fp2_params, fp1_params)
    f1, gfeat = jax.vmap(lambda a, b: _backbone_one(a, b, ps))(xb, pb)
    return f1.reshape(B * N, OUT_CH), gfeat

if __name__ == "__main__":
    import jax
    _d = setup_inputs()
    print(jax.jit(kernel)(*tuple(_d.values())))

</pallas_src>

<mosaic_0001>
module attributes {stable_mosaic.version = 14 : i64} {
  func.func @_copy_kernel(%arg0: memref<16384x128xf32, #tpu.memory_space<vmem>>, %arg1: memref<16384x128xf32, #tpu.memory_space<vmem>>) attributes {dimension_semantics = [], scalar_prefetch = 0 : i64, scratch_operands = 0 : i64, tpu.core_type = #tpu.core_type<tc>} {
    %get3A = arith.constant 0 : index
    %get3A_0 = arith.constant 0 : index
    %get3A_1 = vector.load %arg0[%get3A, %get3A_0] : memref<16384x128xf32, #tpu.memory_space<vmem>>, vector<16384x128xf32>
    %swap3A = arith.constant 0 : index
    %swap3A_2 = arith.constant 0 : index
    %swap3A_3 = vector.load %arg1[%swap3A, %swap3A_2] : memref<16384x128xf32, #tpu.memory_space<vmem>>, vector<16384x128xf32>
    tpu.vector_store %arg1[%swap3A, %swap3A_2], %get3A_1 {strides = array<i32>} : memref<16384x128xf32, #tpu.memory_space<vmem>>, vector<16384x128xf32>,
    return
  }
}

</mosaic_0001>

<sc_bundles>
// kernel: gather_offload_async_start.1
scs
__scs_entry_jumppad:
0x0: {  	(pc) =	sbr.rel $0x88, $3  }
0x1: {  	(tag) =	ssettag $0x0;
	lr =	simm.s32 $0x1  }
0x2: {  	[smem:$0x3F81] =	sst lr;
	_ =	strace $0xD0000000  }
0x3: {  	_ = 	snop  }
0x4: {  	_ = 	snop  }
0x5: {  	_ = 	snop  }
0x6: {  	_ = 	snop  }
0x7: {  	_ = 	snop  }
__scs_overlays_trampoline_lowered:
0x8: {  	[smem:$0x3F90] =	sst s0  }
0x9: {  	[smem:$0x3F91] =	sst s1  }
0xa: {  	[smem:$0x3F92] =	sst s2  }
0xb: {  	[smem:$0x3F93] =	sst s3  }
0xc: {  	[smem:$0x3F94] =	sst s4  }
0xd: {  	[smem:$0x3F95] =	sst s5  }
0xe: {  	[smem:$0x3F96] =	sst s6  }
0xf: {  	[smem:$0x3F97] =	sst s7  }
0x10: {  	[smem:$0x3F98] =	sst s8  }
0x11: {  	[smem:$0x3F99] =	sst s9;
	s0 =	simm.s32 @!p0 $0x0  }
0x12: {  	s1 =	sld [smem:$0x3F7F];
	s0 =	simm.s32 @p0 $0x1  }
0x13: {  	[smem:$0x3F9A] =	sst s0;
	s0 =	simm.s32 @!p1 $0x0  }
0x14: {  	s2 =	sld [smem:$0x3F7E];
	s0 =	simm.s32 @p1 $0x1  }
0x15: {  	[smem:$0x3F9B] =	sst s0;
	s0 =	simm.s32 @!p2 $0x0  }
0x16: {  	s3 =	sld [smem:$0x3FDB];
	s0 =	simm.s32 @p2 $0x1  }
0x17: {  	s4 =	simm.s32 $0x1BF5;
	[smem:$0x3F9D] =	sst s0  }
0x18: {  	s0 =	sld [smem:$0x3F80];
	_ =	swait.ge [sflag:s4], $0x0  }
0x19: {  	s7 =	sld [smem:$0x3F81]  }
0x1a: {  	s8 =	sadd.s32 $0xFFFFE003, lr  }
0x1b: {  	s9 =	sadd.s32 $0xFFFFFEF7, lr;
	s5 =	simm.s32 $0xFFFFFFFF;
	p2 =	slt.u32 s8, $0xFFFFF086  }
0x1c: {  	p1 =	slt.u32 s9, $0xF7A;
	s5 =	simm.s32 @!p2 $0x0  }
0x1d: {  	s5 =	simm.s32 @p1 $0x1;
	p0 =	seq.s32 s7, s2  }
0x1e: {  	s7 =	smul.u32 @!p0 $0xF7A, s2;
	p2 =	seq.s32 @!p0 s5, $0x0  }
0x1f: {  	s9 =	smul.u32 $0xF7A, s1;
	s8 =	simm.s32 @!p0 $0x1BF5;
	p2 =	por !p2, p0  }
0x20: {  	[sflag:s8] =	ssyncset.s32 @!p0 $0xFFFFF086;
	s6 =	sadd.s32 @!p0 s3, s7;
	s7 =	simm.s32 @!p0 $0x108  }
0x21: {  	s3 =	sadd.s32 s3, s9;
	s6 =	sadd.s32 @!p0 $0x88, s6;
	s7 =	simm.s32 @p2 $0x1082  }
0x22: {  	[simem:s7], [sflag:s8] =	dma.local @!p0 [hbm:s6], $0xF7A  }
0x23: {  	s9 =	sor.u32 $0xD0000000, s2;
	s6 =	simm.s32 $0x108;
	_ =	swait.ge @!p0 [sflag:s8], $0x0  }
0x24: {  	s3 =	sadd.s32 $0x88, s3;
	s6 =	simm.s32 @!p1 $0x1082;
	[sflag:s4] =	ssyncset.s32 $0xFFFFF086  }
0x25: {  	[simem:s6], [sflag:s4] =	dma.local [hbm:s3], $0xF7A  }
0x26: {  	[smem:$0x3F81] =	sst s1;
	(tag) =	ssettag s2;
	_ =	strace s9  }
0x27: {  	s1 =	sld [smem:$0x3F91]  }
0x28: {  	s2 =	sld [smem:$0x3F92]  }
0x29: {  	s4 =	sld [smem:$0x3F94]  }
0x2a: {  	p0 =	seq.s32 s5, $0x0;
	s5 =	sld [smem:$0x3F95]  }
0x2b: {  	s6 =	sld [smem:$0x3F96]  }
0x2c: {  	s7 =	sld [smem:$0x3F97]  }
0x2d: {  	s3 =	simm.s32 $0x108;
	s8 =	sld [smem:$0x3F98]  }
0x2e: {  	s3 =	simm.s32 @!p0 $0x1082;
	s9 =	sld [smem:$0x3F99]  }
0x2f: {  	lr =	sadd.s32 s0, s3;
	s0 =	sld [smem:$0x3F90]  }
0x30: {  	s3 =	sld [smem:$0x3F93]  }
0x31: {  	[smem:$0x3F9C] =	sst s10  }
0x32: {  	s10 =	sld [smem:$0x3F9A];
	_ =	sdelay $0x3  }
0x33: {  	p0 =	seq.s32 s10, $0x1;
	s10 =	sld [smem:$0x3F9C];
	_ =	sdelay $0x3  }
0x34: {  	[smem:$0x3F9C] =	sst s10  }
0x35: {  	s10 =	sld [smem:$0x3F9B];
	_ =	sdelay $0x3  }
0x36: {  	p1 =	seq.s32 s10, $0x1;
	s10 =	sld [smem:$0x3F9C];
	_ =	sdelay $0x3  }
0x37: {  	[smem:$0x3F9C] =	sst s10  }
0x38: {  	s10 =	sld [smem:$0x3F9D]  }
0x39: {  	_ = 	snop;
	(pc) =	sbr.ind lr, $3  }
0x3a: {  	_ = 	snop  }
0x3b: {  	_ = 	snop  }
0x3c: {  	p2 =	seq.s32 s10, $0x1;
	s10 =	sld [smem:$0x3F9C]  }
0x3d: {  	_ =	shalt  }
0x3e: {  	_ =	shalt  }
0x3f: {  	_ =	shalt  }
0x40: {  	_ =	shalt  }
0x41: {  	_ =	shalt  }
0x42: {  	_ =	shalt  }
0x43: {  	_ =	shalt  }
0x44: {  	_ =	shalt  }
0x45: {  	_ =	shalt  }
0x46: {  	_ =	shalt  }
0x47: {  	_ =	shalt  }
0x48: {  	_ =	shalt  }
0x49: {  	_ =	shalt  }
0x4a: {  	_ =	shalt  }
0x4b: {  	_ =	shalt  }
0x4c: {  	_ =	shalt  }
0x4d: {  	_ =	shalt  }
0x4e: {  	_ =	shalt  }
0x4f: {  	_ =	shalt  }
0x50: {  	_ =	shalt  }
0x51: {  	_ =	shalt  }
0x52: {  	_ =	shalt  }
0x53: {  	_ =	shalt  }
0x54: {  	_ =	shalt  }
0x55: {  	_ =	shalt  }
0x56: {  	_ =	shalt  }
0x57: {  	_ =	shalt  }
0x58: {  	_ =	shalt  }
0x59: {  	_ =	shalt  }
0x5a: {  	_ =	shalt  }
0x5b: {  	_ =	shalt  }
0x5c: {  	_ =	shalt  }
0x5d: {  	_ =	shalt  }
0x5e: {  	_ =	shalt  }
0x5f: {  	_ =	shalt  }
0x60: {  	_ =	shalt  }
0x61: {  	_ =	shalt  }
0x62: {  	_ =	shalt  }
0x63: {  	_ =	shalt  }
0x64: {  	_ =	shalt  }
0x65: {  	_ =	shalt  }
0x66: {  	_ =	shalt  }
0x67: {  	_ =	shalt  }
0x68: {  	_ =	shalt  }
0x69: {  	_ =	shalt  }
0x6a: {  	_ =	shalt  }
0x6b: {  	_ =	shalt  }
0x6c: {  	_ =	shalt  }
0x6d: {  	_ =	shalt  }
0x6e: {  	_ =	shalt  }
0x6f: {  	_ =	shalt  }
0x70: {  	_ =	shalt  }
0x71: {  	_ =	shalt  }
0x72: {  	_ =	shalt  }
0x73: {  	_ =	shalt  }
0x74: {  	_ =	shalt  }
0x75: {  	_ =	shalt  }
0x76: {  	_ =	shalt  }
0x77: {  	_ =	shalt  }
0x78: {  	_ =	shalt  }
0x79: {  	_ =	shalt  }
0x7a: {  	_ =	shalt  }
0x7b: {  	_ =	shalt  }
0x7c: {  	_ =	shalt  }
0x7d: {  	_ =	shalt  }
0x7e: {  	_ =	shalt  }
0x7f: {  	_ =	shalt  }
0x80: {  	_ =	shalt  }
0x81: {  	_ =	shalt  }
0x82: {  	_ =	shalt  }
0x83: {  	_ =	shalt  }
0x84: {  	_ =	shalt  }
0x85: {  	_ =	shalt  }
0x86: {  	_ =	shalt  }
0x87: {  	_ =	shalt  }
.Lfunc_end0:
.L_simem_size_0:
called_computation.5_lowered:
.L_overlay_start_0:
0x88: {  	s2 =	sld [smem:$0x3FD9]  }
0x89: {  	s3 =	sld [smem:$0x3FFE];
	_ =	sdelay $0x1  }
0x8a: {  	s1 =	srdreg.scid  }
0x8b: {  	s0 =	sand.u32 $0x1, s1  }
0x8c: {  	s16 =	sshll.u32 s0, $0xA;
	s2 =	sadd.s32 s3, s2  }
0x8d: {  	s2 =	sadd.s32 s2, s16  }
0x8e: {  	[smem:$0x3FA8] =	sst s2  }
0x8f: {  	_ = 	snop  }
0x90: {  	(tm) =	ssettm $0x1  }
0x91: {  	s17 =	sld [smem:$0x3FFB];
	_ =	sdelay $0x3  }
0x92: {  	_ =	strace s17  }
0x93: {  	s2 =	sld [smem:$0x3FFC];
	_ =	sdelay $0x3  }
0x94: {  	_ =	strace s2  }
0x95: {  	s2 =	sld [smem:$0x3FFD];
	_ =	sdelay $0x3  }
0x96: {  	_ =	strace s2  }
0x97: {  	_ =	strace $0x8FFFFFFF  }
0x98: {  	s18 =	sld [smem:$0x3FDB];
	_ =	sdelay $0x1  }
0x99: {  	s19 =	simm.s32 $_scs_section_size  }
0x9a: {  	s4 =	simm.s32 $_size__tile_overlayer_lowered;
	s5 =	simm.s32 $_tile_overlayer_lowered  }
0x9b: {  	s22 =	simm.s32 $0x1BFF;
	s21 =	sshll.u32 s5, $0x1;
	s2 =	sadd.s32 s19, s18  }
0x9c: {  	s6 =	simm.s32 $0x0;
	s20 =	sshll.u32 s4, $0x1;
	s4 =	sadd.s32 s21, s2  }
0x9d: {  	[timem:s6], [sflag:s22] =	dma.local [hbm:s4], s20  }
0x9e: {  	_ =	swait.ge [sflag:s22], s20  }
0x9f: {  	s3 =	ssub.s32 $0x0, s20;
	[sflag:s22] =	ssyncset.done $0x0  }
0xa0: {  	[sflag:s22] =	ssyncadd.s32 s3;
	_ =	sdelay $0x1  }
0xa1: {  	s23 =	simm.s32 $0x1B8B  }
0xa2: {  	_ =	swait.ge [sflag:s23], $0x1  }
0xa3: {  	[sflag:s23] =	ssyncset.done $0x0  }
0xa4: {  	s25 =	simm.s32 $0x1B8E;
	s24 =	sld [smem:$0x3FFE];
	[sflag:s23] =	ssyncadd.s32 $0xFFFFFFFF  }
0xa5: {  	s26 =	simm.s32 $execute0_lowered;
	[smem:$0x3FD2] =	sst s25  }
0xa6: {  	s4 =	sshll.u32 s26, $0x1;
	_ =	strace $0x80000049;
	[dreg:$0x1] =	wrdreg $0xFFFFFFFF  }
0xa7: {  	s28 =	simm.s32 $_size_execute0_lowered;
	s2 =	sadd.s32 s2, s4;
	[dreg:$0x0] =	wrdreg $0x0  }
0xa8: {  	s4 =	sshll.u32 s28, $0x1;
	[dreg:$0x2] =	wrdreg s2  }
0xa9: {  	[dreg:$0x3] =	wrdreg s4  }
0xaa: {  	[dreg:$0x4] =	wrdreg $0xC0  }
0xab: {  	_ =	task [dreg:s6], $0x5FFFF  }
0xac: {  	[dreg:$0x1] =	wrdreg $0xFFFFFFFF  }
0xad: {  	[dreg:$0x0] =	wrdreg $0x60  }
0xae: {  	[dreg:$0x2] =	wrdreg s24  }
0xaf: {  	[dreg:$0x3] =	wrdreg $0x9  }
0xb0: {  	_ =	task.clear_ibuf [dreg:s6], $0x4FFFF;
	_ =	strace $0x90000049  }
0xb1: {  	s29 =	simm.s32 $0x9;
	_ =	strace $0x8000004B  }
0xb2: {  	_ =	swait.ge [sflag:s29], $0x1  }
0xb3: {  	[sflag:s29] =	ssyncadd.s32 $0xFFFFFFFF  }
0xb4: {  	_ =	strace $0x9000004B  }
0xb5: {  	_ =	sfence  }
0xb6: {  	s30 =	sld [smem:$0x0];
	_ =	sdelay $0x2  }
0xb7: {  	s31 =	sshll.u32 s1, $0xD;
	s1 =	sshrl.u32 s1, $0x2  }
0xb8: {  	s3 =	sand.u32 $0x4000, s31;
	s1 =	sadd.s32 s1, s30  }
0xb9: {  	s0 =	sor.u32 s3, s0;
	s1 =	sshll.u32 s1, $0x11  }
0xba: {  	s0 =	sor.u32 s1, s0  }
0xbb: {  	s0 =	sadd.s32 $0x8F2B, s0  }
0xbc: {  	[sflag:s0] =	ssyncadd.remote.s32 $0x1  }
0xbd: {  	_ =	sfence.sel $0xFFFF  }
0xbe: {  	[dreg:$0x0] =	wrdreg $0xFFFFFFFF;
	(pc) =	sbr.abs _section_cstart, $3  }
0xbf: {  	[dreg:$0x1] =	wrdreg $0xFFFFFFFF  }
0xc0: {  	_ =	task.clear_ibuf [dreg:s6], $0x2FFFF;
	_ =	strace $0x9FFFFFFF  }
0xc1: {  	(tm) =	ssettm $0x7FFFFFFF  }
tec
execute0_lowered:
.L_overlay_start_1:
0x0: {  	(tag) =	ssettag $0x1  }
0x1: {  	s7 =	rddreg [dreg:$0x0]  }
0x2: {  	s0 =	rddreg [dreg:$0x1];
	_ =	strace $0x8000004A  }
0x3: {  	s1 =	srdreg.scid;
	s4 =	simm.s32 $0x1;
	s9 =	simm.s32 $0x3  }
0x4: {  	s12 =	simm.s32 $0x0;
	s10 =	simm.s32 $0x0;
	s5 =	sshll.u32 s1, $0x4  }
.Ltmp0:
0x5: {  	s1 =	stileid.u32;
	s5 =	sand.u32 $0x10, s5;
	(pc) =	sbr.rel .LBB2_1-.Ltmp0, $4  }
0x6: {  	s2 =	sadd.s32 $0x600, s7;
	s3 =	sadd.s32 $0x200, s7;
	s6 =	sor.u32 s1, s5  }
0x7: {  	[sflag:s4] =	ssyncpa.u1 $0x0;
	s5 =	simm.s32 $0x2;
	s6 =	sshll.u32 s6, $0x6  }
0x8: {  	s7 =	sadd.s32 $0x221A00, s7;
	[sflag:s5] =	ssyncpa.u1 $0x0;
	s8 =	sadd.s32 $0x40, s6  }
0x9: {  	vm0 =	vmmov $0xff;
	vm1 =	vcmask $0x3F20;
	[sflag:s9] =	ssyncpa.u1 $0x0;
	s9 =	simm.s32 $0x40;
	s11 =	smov.u32 s6  }
.LBB2_9:
0xa: {  	p0 =	seq.s32 s10, $0x2  }
.Ltmp1:
0xb: {  	_ = 	snop;
	(pc) =	sbr.rel @p0 .LBB2_11-.Ltmp1, $1  }
0xc: {  	_ =	sdelay $0x3  }
.LBB2_10:
0xd: {  	s12 =	sadd.s32 $0x40, s11  }
0xe: {  	s13 =	smov.u32 s6;
	p0 =	slt.s32 s12, s8  }
0xf: {  	s13 =	smov.u32 @p0 s12  }
0x10: {  	s10 =	sadd.s32 $0x1, s10;
	s12 =	smov.u32 s11;
	s11 =	smov.u32 s13  }
.LBB2_1:
0x11: {  	p0 =	sne.s32 s10, $0x0  }
.Ltmp2:
0x12: {  	_ = 	snop;
	(pc) =	sbr.rel @!p0 .LBB2_2-.Ltmp2, $1  }
0x13: {  	_ =	sdelay $0x3  }
0x14: {  	s13 =	sand.u32 $0x1, s10  }
0x15: {  	p0 =	seq.s32 s13, $0x0  }
.Ltmp3:
0x16: {  	_ = 	snop;
	(pc) =	sbr.rel @p0 .LBB2_9-.Ltmp3, $1  }
0x17: {  	_ =	sdelay $0x3  }
0x18: {  	_ =	swait.ge [sflag:s5], $0x40  }
0x19: {  	[sflag:s5] =	ssyncset.done $0x0  }
0x1a: {  	s13 =	simm.s32 $0x0;
	[sflag:s5] =	ssyncadd.s32 $0xFFFFFFC0  }
0x1b: {  	v0 =	vld.msk [tilespmem:s13+$0x40 ss:$0x1], $0xffff;
	_ =	sdelay $0x4  }
0x1c: {  	v1 =	vshll.u32 v0, $0x4  }
0x1d: {  	vm2 =	veq.s32 v0, $0x80000000;
	v0 =	vshll.u32 v0, $0x11;
	v1 =	vand.u32 $0x1FF80, v1  }
0x1e: {  	v0 =	vand.u32 $0xE0000, v0;
	v1 =	vsel vm2, $0xFFFFFF80, v1  }
0x1f: {  	v0 =	vsel vm2, $0xFFFE0000, v0;
	v2 =	vand.u32 $0xFFFFFC00, v1  }
0x20: {  	v1 =	vand.u32 $0x380, v1;
	v0 =	vadd.s32 v0, v2  }
0x21: {  	v0 =	vor.u32 v1, v0  }
0x22: {  	v0 =	vshrl.u32 v0, $0x3;
	_ =	sdelay $0x3  }
0x23: {  	s13 =	simm.s32 $0x2080  }
0x24: {  	[tilespmem:s13], [sflag:$0x1] =	stream.indirect_vreg.gather [hbm:s2], $0x80, v0, vm0, $0x38;
	[tilespmem:$0x4080] =	vst v63  }
0x25: {  	s14 =	simm.s32 $0x2480;
	s31 =	simm.s32 $0x10  }
0x26: {  	[tilespmem:s14], [sflag:$0x1] =	stream.indirect_vreg.gather [hbm:s2], $0x80, v0, vm1, $0x38;
	[tilespmem:$0x4080] =	vst v63  }
0x27: {  	s14 =	simm.s32 $0x80;
	v0 =	vld.msk [tilespmem:s31+$0x40 ss:$0x1], $0xffff  }
.LBB2_5:
0x28: {  	p0 =	sne.s32 s14, $0xC0;
	_ =	sdelay $0x4  }
0x29: {  	v1 =	vshll.u32 v0, $0x4  }
0x2a: {  	vm2 =	veq.s32 v0, $0x80000000;
	v0 =	vshll.u32 v0, $0x11;
	v1 =	vand.u32 $0x1FF80, v1  }
0x2b: {  	v0 =	vand.u32 $0xE0000, v0;
	v1 =	vsel vm2, $0xFFFFFF80, v1  }
0x2c: {  	v0 =	vsel vm2, $0xFFFE0000, v0;
	v2 =	vand.u32 $0xFFFFFC00, v1  }
0x2d: {  	v1 =	vand.u32 $0x380, v1;
	v0 =	vadd.s32 v0, v2  }
0x2e: {  	v0 =	vor.u32 v1, v0  }
0x2f: {  	v0 =	vshrl.u32 v0, $0x3;
	_ =	sdelay $0x3  }
.Ltmp4:
0x30: {  	s13 =	sadd.s32 $0x800, s13;
	(pc) =	sbr.rel @p0 .LBB2_5-.Ltmp4, $4  }
0x31: {  	[tilespmem:s13], [sflag:$0x1] =	stream.indirect_vreg.gather [hbm:s2], $0x80, v0, vm0, $0x38;
	[tilespmem:$0x4080] =	vst v63  }
0x32: {  	s15 =	sshra.s32 s14, $0x2;
	s16 =	sadd.s32 $0x400, s13  }
0x33: {  	[tilespmem:s16], [sflag:$0x1] =	stream.indirect_vreg.gather [hbm:s2], $0x80, v0, vm1, $0x38;
	[tilespmem:$0x4080] =	vst v63  }
0x34: {  	s14 =	sadd.s32 $0x40, s14;
	v0 =	vld.msk [tilespmem:s15+$0x40 ss:$0x1], $0xffff  }
0x35: {  	_ =	sdelay $0x3  }
0x36: {  	v1 =	vshll.u32 v0, $0x4  }
0x37: {  	vm2 =	veq.s32 v0, $0x80000000;
	v63 =	vshll.u32 v0, $0x11;
	v1 =	vand.u32 $0x1FF80, v1  }
0x38: {  	v0 =	vand.u32 $0xE0000, v63;
	v1 =	vsel vm2, $0xFFFFFF80, v1  }
0x39: {  	v0 =	vsel vm2, $0xFFFE0000, v0;
	v2 =	vand.u32 $0xFFFFFC00, v1  }
0x3a: {  	v1 =	vand.u32 $0x380, v1;
	v0 =	vadd.s32 v0, v2  }
0x3b: {  	v0 =	vor.u32 v1, v0  }
0x3c: {  	v0 =	vshrl.u32 v0, $0x3;
	_ =	sdelay $0x3  }
0x3d: {  	s13 =	sadd.s32 $0x800, s13  }
0x3e: {  	[tilespmem:s13], [sflag:$0x1] =	stream.indirect_vreg.gather [hbm:s2], $0x80, v0, vm0, $0x38;
	[tilespmem:$0x4080] =	vst v63  }
0x3f: {  	s13 =	sadd.s32 $0x400, s13  }
0x40: {  	[tilespmem:s13], [sflag:$0x1] =	stream.indirect_vreg.gather [hbm:s2], $0x80, v0, vm1, $0x38;
	[tilespmem:$0x4080] =	vst v63  }
0x41: {  	s12 =	sshll.u32 s12, $0x4;
	s14 =	simm.s32 $0x80;
	_ =	swait.ge [sflag:s4], $0x2000  }
0x42: {  	s15 =	simm.s32 $0x2480;
	s12 =	sadd.s32 s12, s7;
	[sflag:s4] =	ssyncset.done $0x0  }
0x43: {  	s16 =	sadd.s32 $0x0, s12;
	s13 =	simm.s32 $0x2080;
	[sflag:s4] =	ssyncadd.s32 $0xFFFFE000  }
.LBB2_7:
0x44: {  	[hbm:s16] =	stream.linear.scatter [tilespmem:s13], [sflag:$0x3], $0x400, $0x38;
	[tilespmem:$0x4080] =	vst v63  }
0x45: {  	s16 =	smov.u32 s14;
	s13 =	smov.u32 s15;
	p0 =	sne.s32 s14, $0x380  }
.Ltmp5:
0x46: {  	s14 =	sadd.s32 $0x80, s14;
	(pc) =	sbr.rel @p0 .LBB2_7-.Ltmp5, $2  }
0x47: {  	_ =	sdelay $0x2  }
0x48: {  	s15 =	sadd.s32 $0x400, s15;
	s16 =	sadd.s32 s16, s12  }
.Ltmp6:
0x49: {  	(pc) =	sbr.rel .LBB2_9-.Ltmp6, $2  }
0x4a: {  	_ =	sdelay $0x2  }
0x4b: {  	[hbm:s16] =	stream.linear.scatter [tilespmem:s13], [sflag:$0x3], $0x400, $0x38;
	[tilespmem:$0x4080] =	vst v63  }
.LBB2_2:
.Ltmp7:
0x4c: {  	(pc) =	sbr.rel .LBB2_10-.Ltmp7, $4  }
0x4d: {  	_ = 	snop  }
0x4e: {  	s12 =	sshrl.u32 s11, $0x3  }
0x4f: {  	s13 =	sand.u32 $0x7, s11;
	s12 =	sadd.s32 s3, s12  }
0x50: {  	[tilespmem:s9], [sflag:$0x2] =	stream.linear.gather [hbm4b:s12+s13], $0x40, $0x38;
	[tilespmem:$0x4080] =	vst v63  }
.LBB2_11:
0x51: {  	s2 =	simm.s32 $0x3  }
0x52: {  	_ =	swait.ge [sflag:s2], $0x2000  }
0x53: {  	[sflag:s2] =	ssyncset.done $0x0  }
0x54: {  	[sflag:s2] =	ssyncadd.s32 $0xFFFFE000  }
0x55: {  	_ =	sfence.sel $0x180000  }
0x56: {  	s3 =	simm.s32 $0x2;
	[bflag:$0x0] =	sbarrier.arrive $0xFFFF  }
0x57: {  	[sflag:s3] =	ssyncpa.u1 $0x1  }
0x58: {  	s31 =	simm.s32 $0x1;
	[sflag:s2] =	ssyncpa.u1 $0x1  }
0x59: {  	[sflag:s31] =	ssyncpa.u1 $0x1  }
0x5a: {  	p0 =	sne.s32 s1, $0x0;
	_ =	strace $0x9000004A  }
0x5b: {  	s0 =	sadd.s32 @!p0 $0x100000, s0;
	[bflag:$0x2] =	sbarrier.arrive $0xFFFF  }
0x5c: {  	[sflag:s0] =	ssyncadd.tile.s32 @!p0 $0x1;
	_ =	shalt  }
.Lfunc_end2:
_tile_overlayer_lowered:
.L_overlay_start_2:
0x5d: {  	(tag) =	ssettag $0x2  }
0x5e: {  	s0 =	rddreg [dreg:$0x0];
	s2 =	stileid.u32  }
0x5f: {  	s1 =	rddreg [dreg:$0x1];
	p0 =	sne.s32 s2, $0x0  }
0x60: {  	s3 =	rddreg [dreg:$0x2];
	[bflag:$0x3] =	sbarrier.arrive $0xFFFF;
	s2 =	simm.s32 @!p0 $0x1C01  }
0x61: {  	[timem:s3], [sflag:s2] =	dma.local @!p0 [hbm:s0], s1  }
0x62: {  	s0 =	simm.s32 @!p0 $0x1  }
0x63: {  	_ =	swait.ge @!p0 [sflag:s0], s1  }
0x64: {  	s1 =	ssub.s32 @!p0 $0x0, s1;
	[sflag:s0] =	ssyncset.done @!p0 $0x0  }
0x65: {  	[sflag:s0] =	ssyncadd.s32 @!p0 s1  }
0x66: {  	[bflag:$0x3] =	sbarrier.arrive $0xFFFF  }
0x67: {  	_ =	shalt  }

// kernel: gather_offload_async_start.2
scs
__scs_entry_jumppad:
0x0: {  	(pc) =	sbr.rel $0x88, $3  }
0x1: {  	(tag) =	ssettag $0x0;
	lr =	simm.s32 $0x1  }
0x2: {  	[smem:$0x3F81] =	sst lr;
	_ =	strace $0xD0000000  }
0x3: {  	_ = 	snop  }
0x4: {  	_ = 	snop  }
0x5: {  	_ = 	snop  }
0x6: {  	_ = 	snop  }
0x7: {  	_ = 	snop  }
__scs_overlays_trampoline_lowered:
0x8: {  	[smem:$0x3F90] =	sst s0  }
0x9: {  	[smem:$0x3F91] =	sst s1  }
0xa: {  	[smem:$0x3F92] =	sst s2  }
0xb: {  	[smem:$0x3F93] =	sst s3  }
0xc: {  	[smem:$0x3F94] =	sst s4  }
0xd: {  	[smem:$0x3F95] =	sst s5  }
0xe: {  	[smem:$0x3F96] =	sst s6  }
0xf: {  	[smem:$0x3F97] =	sst s7  }
0x10: {  	[smem:$0x3F98] =	sst s8  }
0x11: {  	[smem:$0x3F99] =	sst s9;
	s0 =	simm.s32 @!p0 $0x0  }
0x12: {  	s1 =	sld [smem:$0x3F7F];
	s0 =	simm.s32 @p0 $0x1  }
0x13: {  	[smem:$0x3F9A] =	sst s0;
	s0 =	simm.s32 @!p1 $0x0  }
0x14: {  	s2 =	sld [smem:$0x3F7E];
	s0 =	simm.s32 @p1 $0x1  }
0x15: {  	[smem:$0x3F9B] =	sst s0;
	s0 =	simm.s32 @!p2 $0x0  }
0x16: {  	s3 =	sld [smem:$0x3FDB];
	s0 =	simm.s32 @p2 $0x1  }
0x17: {  	s4 =	simm.s32 $0x1BF5;
	[smem:$0x3F9D] =	sst s0  }
0x18: {  	s0 =	sld [smem:$0x3F80];
	_ =	swait.ge [sflag:s4], $0x0  }
0x19: {  	s7 =	sld [smem:$0x3F81]  }
0x1a: {  	s8 =	sadd.s32 $0xFFFFE003, lr  }
0x1b: {  	s9 =	sadd.s32 $0xFFFFFEF7, lr;
	s5 =	simm.s32 $0xFFFFFFFF;
	p2 =	slt.u32 s8, $0xFFFFF086  }
0x1c: {  	p1 =	slt.u32 s9, $0xF7A;
	s5 =	simm.s32 @!p2 $0x0  }
0x1d: {  	s5 =	simm.s32 @p1 $0x1;
	p0 =	seq.s32 s7, s2  }
0x1e: {  	s7 =	smul.u32 @!p0 $0xF7A, s2;
	p2 =	seq.s32 @!p0 s5, $0x0  }
0x1f: {  	s9 =	smul.u32 $0xF7A, s1;
	s8 =	simm.s32 @!p0 $0x1BF5;
	p2 =	por !p2, p0  }
0x20: {  	[sflag:s8] =	ssyncset.s32 @!p0 $0xFFFFF086;
	s6 =	sadd.s32 @!p0 s3, s7;
	s7 =	simm.s32 @!p0 $0x108  }
0x21: {  	s3 =	sadd.s32 s3, s9;
	s6 =	sadd.s32 @!p0 $0x88, s6;
	s7 =	simm.s32 @p2 $0x1082  }
0x22: {  	[simem:s7], [sflag:s8] =	dma.local @!p0 [hbm:s6], $0xF7A  }
0x23: {  	s9 =	sor.u32 $0xD0000000, s2;
	s6 =	simm.s32 $0x108;
	_ =	swait.ge @!p0 [sflag:s8], $0x0  }
0x24: {  	s3 =	sadd.s32 $0x88, s3;
	s6 =	simm.s32 @!p1 $0x1082;
	[sflag:s4] =	ssyncset.s32 $0xFFFFF086  }
0x25: {  	[simem:s6], [sflag:s4] =	dma.local [hbm:s3], $0xF7A  }
0x26: {  	[smem:$0x3F81] =	sst s1;
	(tag) =	ssettag s2;
	_ =	strace s9  }
0x27: {  	s1 =	sld [smem:$0x3F91]  }
0x28: {  	s2 =	sld [smem:$0x3F92]  }
0x29: {  	s4 =	sld [smem:$0x3F94]  }
0x2a: {  	p0 =	seq.s32 s5, $0x0;
	s5 =	sld [smem:$0x3F95]  }
0x2b: {  	s6 =	sld [smem:$0x3F96]  }
0x2c: {  	s7 =	sld [smem:$0x3F97]  }
0x2d: {  	s3 =	simm.s32 $0x108;
	s8 =	sld [smem:$0x3F98]  }
0x2e: {  	s3 =	simm.s32 @!p0 $0x1082;
	s9 =	sld [smem:$0x3F99]  }
0x2f: {  	lr =	sadd.s32 s0, s3;
	s0 =	sld [smem:$0x3F90]  }
0x30: {  	s3 =	sld [smem:$0x3F93]  }
0x31: {  	[smem:$0x3F9C] =	sst s10  }
0x32: {  	s10 =	sld [smem:$0x3F9A];
	_ =	sdelay $0x3  }
0x33: {  	p0 =	seq.s32 s10, $0x1;
	s10 =	sld [smem:$0x3F9C];
	_ =	sdelay $0x3  }
0x34: {  	[smem:$0x3F9C] =	sst s10  }
0x35: {  	s10 =	sld [smem:$0x3F9B];
	_ =	sdelay $0x3  }
0x36: {  	p1 =	seq.s32 s10, $0x1;
	s10 =	sld [smem:$0x3F9C];
	_ =	sdelay $0x3  }
0x37: {  	[smem:$0x3F9C] =	sst s10  }
0x38: {  	s10 =	sld [smem:$0x3F9D]  }
0x39: {  	_ = 	snop;
	(pc) =	sbr.ind lr, $3  }
0x3a: {  	_ = 	snop  }
0x3b: {  	_ = 	snop  }
0x3c: {  	p2 =	seq.s32 s10, $0x1;
	s10 =	sld [smem:$0x3F9C]  }
0x3d: {  	_ =	shalt  }
0x3e: {  	_ =	shalt  }
0x3f: {  	_ =	shalt  }
0x40: {  	_ =	shalt  }
0x41: {  	_ =	shalt  }
0x42: {  	_ =	shalt  }
0x43: {  	_ =	shalt  }
0x44: {  	_ =	shalt  }
0x45: {  	_ =	shalt  }
0x46: {  	_ =	shalt  }
0x47: {  	_ =	shalt  }
0x48: {  	_ =	shalt  }
0x49: {  	_ =	shalt  }
0x4a: {  	_ =	shalt  }
0x4b: {  	_ =	shalt  }
0x4c: {  	_ =	shalt  }
0x4d: {  	_ =	shalt  }
0x4e: {  	_ =	shalt  }
0x4f: {  	_ =	shalt  }
0x50: {  	_ =	shalt  }
0x51: {  	_ =	shalt  }
0x52: {  	_ =	shalt  }
0x53: {  	_ =	shalt  }
0x54: {  	_ =	shalt  }
0x55: {  	_ =	shalt  }
0x56: {  	_ =	shalt  }
0x57: {  	_ =	shalt  }
0x58: {  	_ =	shalt  }
0x59: {  	_ =	shalt  }
0x5a: {  	_ =	shalt  }
0x5b: {  	_ =	shalt  }
0x5c: {  	_ =	shalt  }
0x5d: {  	_ =	shalt  }
0x5e: {  	_ =	shalt  }
0x5f: {  	_ =	shalt  }
0x60: {  	_ =	shalt  }
0x61: {  	_ =	shalt  }
0x62: {  	_ =	shalt  }
0x63: {  	_ =	shalt  }
0x64: {  	_ =	shalt  }
0x65: {  	_ =	shalt  }
0x66: {  	_ =	shalt  }
0x67: {  	_ =	shalt  }
0x68: {  	_ =	shalt  }
0x69: {  	_ =	shalt  }
0x6a: {  	_ =	shalt  }
0x6b: {  	_ =	shalt  }
0x6c: {  	_ =	shalt  }
0x6d: {  	_ =	shalt  }
0x6e: {  	_ =	shalt  }
0x6f: {  	_ =	shalt  }
0x70: {  	_ =	shalt  }
0x71: {  	_ =	shalt  }
0x72: {  	_ =	shalt  }
0x73: {  	_ =	shalt  }
0x74: {  	_ =	shalt  }
0x75: {  	_ =	shalt  }
0x76: {  	_ =	shalt  }
0x77: {  	_ =	shalt  }
0x78: {  	_ =	shalt  }
0x79: {  	_ =	shalt  }
0x7a: {  	_ =	shalt  }
0x7b: {  	_ =	shalt  }
0x7c: {  	_ =	shalt  }
0x7d: {  	_ =	shalt  }
0x7e: {  	_ =	shalt  }
0x7f: {  	_ =	shalt  }
0x80: {  	_ =	shalt  }
0x81: {  	_ =	shalt  }
0x82: {  	_ =	shalt  }
0x83: {  	_ =	shalt  }
0x84: {  	_ =	shalt  }
0x85: {  	_ =	shalt  }
0x86: {  	_ =	shalt  }
0x87: {  	_ =	shalt  }
.Lfunc_end0:
.L_simem_size_0:
called_computation.6_lowered:
.L_overlay_start_0:
0x88: {  	s2 =	sld [smem:$0x3FD9]  }
0x89: {  	s3 =	sld [smem:$0x3FFE];
	_ =	sdelay $0x1  }
0x8a: {  	s1 =	srdreg.scid  }
0x8b: {  	s0 =	sand.u32 $0x1, s1  }
0x8c: {  	s17 =	sshll.u32 s0, $0xA;
	s2 =	sadd.s32 s3, s2  }
0x8d: {  	s2 =	sadd.s32 s2, s17  }
0x8e: {  	[smem:$0x3FA8] =	sst s2  }
0x8f: {  	_ = 	snop  }
0x90: {  	(tm) =	ssettm $0x1  }
0x91: {  	s18 =	sld [smem:$0x3FFB];
	_ =	sdelay $0x3  }
0x92: {  	_ =	strace s18  }
0x93: {  	s2 =	sld [smem:$0x3FFC];
	_ =	sdelay $0x3  }
0x94: {  	_ =	strace s2  }
0x95: {  	s2 =	sld [smem:$0x3FFD];
	_ =	sdelay $0x3  }
0x96: {  	_ =	strace s2  }
0x97: {  	_ =	strace $0x8FFFFFFF  }
0x98: {  	s19 =	sld [smem:$0x3FDB];
	_ =	sdelay $0x1  }
0x99: {  	s20 =	simm.s32 $_scs_section_size  }
0x9a: {  	s4 =	simm.s32 $_size__tile_overlayer_lowered;
	s5 =	simm.s32 $_tile_overlayer_lowered  }
0x9b: {  	s6 =	simm.s32 $0x1BFF;
	s21 =	sshll.u32 s5, $0x1;
	s3 =	sadd.s32 s20, s19  }
0x9c: {  	s22 =	simm.s32 $0x0;
	s4 =	sshll.u32 s4, $0x1;
	s5 =	sadd.s32 s21, s3  }
0x9d: {  	[timem:s22], [sflag:s6] =	dma.local [hbm:s5], s4  }
0x9e: {  	_ =	swait.ge [sflag:s6], s4  }
0x9f: {  	s4 =	ssub.s32 $0x0, s4;
	[sflag:s6] =	ssyncset.done $0x0  }
0xa0: {  	[sflag:s6] =	ssyncadd.s32 s4;
	_ =	sdelay $0x1  }
0xa1: {  	s23 =	simm.s32 $0x1B8B  }
0xa2: {  	_ =	swait.ge [sflag:s23], $0x1  }
0xa3: {  	[sflag:s23] =	ssyncset.done $0x0  }
0xa4: {  	[sflag:s23] =	ssyncadd.s32 $0xFFFFFFFF  }
0xa5: {  	s4 =	sld [smem:$0x0]  }
0xa6: {  	s5 =	sand.u32 $0xFFFFFFFE, s1  }
0xa7: {  	p0 =	sne.s32 s1, s5  }
0xa8: {  	s5 =	sshll.u32 @p0 s5, $0xE  }
0xa9: {  	s5 =	sadd.s32 @p0 $0x11B8D, s5;
	s6 =	sshll.u32 @p0 s4, $0x11  }
0xaa: {  	s5 =	sor.u32 @p0 s6, s5  }
0xab: {  	[sflag:s5] =	ssyncadd.remote.s32 @p0 $0x1;
	_ =	sdelay $0x1  }
0xac: {  	s5 =	simm.s32 @p0 $0x1B8D  }
0xad: {  	_ =	swait.eq @p0 [sflag:s5], $0x1  }
0xae: {  	[sflag:s5] =	ssyncadd.s32 @p0 $0xFFFFFFFF  }
0xaf: {  	s6 =	sshll.u32 @!p0 s1, $0xE  }
0xb0: {  	s6 =	sor.u32 @!p0 $0x4000, s6;
	s5 =	simm.s32 @!p0 $0x1B8D  }
0xb1: {  	s4 =	sshll.u32 @!p0 s4, $0x11;
	s6 =	sadd.s32 @!p0 $0x11B8D, s6;
	_ =	swait.eq @!p0 [sflag:s5], $0x1  }
0xb2: {  	s4 =	sor.u32 @!p0 s4, s6;
	[sflag:s5] =	ssyncadd.s32 @!p0 $0xFFFFFFFF  }
0xb3: {  	s25 =	simm.s32 $0x1B8E;
	s24 =	sld [smem:$0x3FFE];
	[sflag:s4] =	ssyncadd.remote.s32 @!p0 $0x1  }
0xb4: {  	s26 =	simm.s32 $execute0_lowered;
	[smem:$0x3FD2] =	sst s25  }
0xb5: {  	s5 =	sshll.u32 s26, $0x1;
	_ =	strace $0x8000004F;
	[dreg:$0x1] =	wrdreg $0xFFFFFFFF  }
0xb6: {  	s28 =	simm.s32 $_size_execute0_lowered;
	s3 =	sadd.s32 s3, s5;
	[dreg:$0x0] =	wrdreg $0x0  }
0xb7: {  	s5 =	sshll.u32 s28, $0x1;
	[dreg:$0x2] =	wrdreg s3  }
0xb8: {  	[dreg:$0x3] =	wrdreg s5  }
0xb9: {  	[dreg:$0x4] =	wrdreg $0xC0  }
0xba: {  	_ =	task [dreg:s22], $0x5FFFF  }
0xbb: {  	[dreg:$0x1] =	wrdreg $0xFFFFFFFF  }
0xbc: {  	[dreg:$0x0] =	wrdreg $0x60  }
0xbd: {  	[dreg:$0x2] =	wrdreg s24  }
0xbe: {  	[dreg:$0x3] =	wrdreg $0xB  }
0xbf: {  	_ =	task.clear_ibuf [dreg:s22], $0x4FFFF;
	_ =	strace $0x9000004F  }
0xc0: {  	s29 =	simm.s32 $0xB;
	_ =	strace $0x80000051  }
0xc1: {  	_ =	swait.ge [sflag:s29], $0x1  }
0xc2: {  	[sflag:s29] =	ssyncadd.s32 $0xFFFFFFFF  }
0xc3: {  	_ =	strace $0x90000051  }
0xc4: {  	_ =	sfence  }
0xc5: {  	s30 =	sld [smem:$0x0];
	_ =	sdelay $0x2  }
0xc6: {  	s31 =	sshll.u32 s1, $0xD;
	s1 =	sshrl.u32 s1, $0x2  }
0xc7: {  	s4 =	sand.u32 $0x4000, s31;
	s1 =	sadd.s32 s1, s30  }
0xc8: {  	s0 =	sor.u32 s4, s0;
	s1 =	sshll.u32 s1, $0x11  }
0xc9: {  	s0 =	sor.u32 s1, s0  }
0xca: {  	s0 =	sadd.s32 $0x8F2B, s0  }
0xcb: {  	[sflag:s0] =	ssyncadd.remote.s32 $0x1  }
0xcc: {  	_ =	sfence.sel $0xFFFF  }
0xcd: {  	[dreg:$0x0] =	wrdreg $0xFFFFFFFF;
	(pc) =	sbr.abs _section_cstart, $3  }
0xce: {  	[dreg:$0x1] =	wrdreg $0xFFFFFFFF  }
0xcf: {  	_ =	task.clear_ibuf [dreg:s22], $0x2FFFF;
	_ =	strace $0x9FFFFFFF  }
0xd0: {  	(tm) =	ssettm $0x7FFFFFFF  }
0xd1: {  	_ =	shalt  }
tec
execute0_lowered:
.L_overlay_start_1:
0x0: {  	(tag) =	ssettag $0x1  }
0x1: {  	s0 =	srdreg.scid;
	s5 =	rddreg [dreg:$0x0]  }
0x2: {  	s1 =	stileid.u32;
	s6 =	simm.s32 $0x1;
	s9 =	simm.s32 $0x1  }
0x3: {  	s10 =	simm.s32 $0x3;
	s13 =	simm.s32 $0x0;
	s2 =	sshll.u32 s0, $0x7  }
0x4: {  	s12 =	simm.s32 $0x0;
	s3 =	sshll.u32 s1, $0x8;
	s4 =	sand.u32 $0x80, s2  }
0x5: {  	s0 =	rddreg [dreg:$0x1];
	_ =	strace $0x80000050;
	s3 =	sor.u32 s3, s4  }
0x6: {  	s2 =	sadd.s32 $0x82A200, s5;
	[sflag:s6] =	ssyncpa.u1 $0x0;
	s8 =	ssub.s32 $0x1800, s3  }
.Ltmp0:
0x7: {  	s4 =	sadd.s32 $0x82DA00, s5;
	s7 =	sand.u32 $0xF80, s8;
	(pc) =	sbr.rel .LBB2_1-.Ltmp0, $4  }
0x8: {  	s5 =	sadd.s32 $0x82DE00, s5;
	s11 =	smov.u32 s3;
	p0 =	sne.s32 s7, $0x0  }
0x9: {  	s8 =	sshrl.u32 s8, $0xC;
	s7 =	simm.s32 $0x2;
	s9 =	simm.s32 @!p0 $0x0  }
0xa: {  	[sflag:s7] =	ssyncpa.u1 $0x0;
	p0 =	por $0x0, $0x0;
	s8 =	sadd.s32 s9, s8  }
0xb: {  	vm0 =	vmmov $0xffff;
	[sflag:s10] =	ssyncpa.u1 $0x0;
	s10 =	simm.s32 $0x0;
	s9 =	sadd.s32 $0x1, s8  }
.LBB2_4:
0xc: {  	v5 =	vand.u32 $0x7F, v3;
	v59 =	vshll.u32 v3, $0x3;
	v2 =	vor.u32 v2, v4  }
0xd: {  	vm1 =	veq.s32 v1, $0x80000000;
	v60 =	vand.u32 $0x7, v1;
	v6 =	vand.u32 $0xF800, v1  }
0xe: {  	v61 =	vshrl.u32 v1, $0x3;
	v4 =	vsel vm1, $0xFFFFFFFF, v60;
	v3 =	vand.u32 $0xFFFFFC00, v59  }
0xf: {  	v1 =	vand.u32 $0xFF, v61;
	v6 =	vsel vm1, $0xFFFFF800, v6;
	v2 =	vor.u32 v5, v2  }
0x10: {  	v7 =	vand.u32 $0xFFFFF800, v4;
	v4 =	vshll.u32 v4, $0x7;
	v1 =	vsel vm1, $0xFFFFFFFF, v1  }
0x11: {  	v2 =	vadd.s32 v3, v2;
	v4 =	vand.u32 $0x380, v4;
	v62 =	vadd.s32 v6, v7  }
0x12: {  	v63 =	vand.u32 $0x7F, v1;
	v1 =	vshll.u32 v1, $0x3;
	v4 =	vor.u32 v4, v62  }
0x13: {  	v1 =	vand.u32 $0xFFFFFC00, v1;
	v3 =	vor.u32 v63, v4  }
0x14: {  	v1 =	vadd.s32 v1, v3  }
0x15: {  	[tilespmem:s16], [sflag:$0x1] =	stream.indirect_vreg.gather [hbm4b:s2+s10], $0x1, v0, vm0, $0x4038;
	[tilespmem:$0x200] =	vst v63  }
0x16: {  	s15 =	sadd.s32 $0x10, s15;
	(ifvalue) =	ssetifvalue $0x7FFFFFFF  }
0x17: {  	[tilespmem:s15], [sflag:$0x1] =	stream.indirect_vreg.gather [hbm4b:s2+s10], $0x1, v2, vm0, $0x4038;
	[tilespmem:$0x200] =	vst v63  }
0x18: {  	s15 =	sadd.s32 $0x10, s15;
	(ifvalue) =	ssetifvalue $0x7FFFFFFF  }
0x19: {  	[tilespmem:s15], [sflag:$0x1] =	stream.indirect_vreg.gather [hbm4b:s2+s10], $0x1, v1, vm0, $0x4038;
	[tilespmem:$0x200] =	vst v63  }
0x1a: {  	_ =	swait.ge [sflag:s6], $0x80  }
0x1b: {  	s30 =	sshrl.u32 s13, $0x3;
	[sflag:s6] =	ssyncset.done $0x0  }
0x1c: {  	s31 =	sand.u32 $0x7, s13;
	s15 =	sadd.s32 s5, s30;
	[sflag:s6] =	ssyncadd.s32 $0xFFFFFF80  }
0x1d: {  	[hbm4b:s15+s31] =	stream.linear.scatter [tilespmem:s14], [sflag:$0x3], $0x80, $0x38;
	[tilespmem:$0x200] =	vst v63  }
.LBB2_5:
0x1e: {  	s15 =	sadd.s32 $0x1000, s11  }
0x1f: {  	p2 =	sgt.s32 s15, $0x17FF  }
0x20: {  	s15 =	smov.u32 @p2 s3;
	p2 =	sne.s32 s12, s9  }
.Ltmp1:
0x21: {  	p1 =	slt.u32 s12, $0x2;
	(pc) =	sbr.rel @!p2 .LBB2_6-.Ltmp1, $4  }
0x22: {  	s14 =	simm.s32 @!p1 $0x3  }
0x23: {  	s16 =	sadd.s32 $0x1, s12;
	_ =	swait.ge @!p1 [sflag:s14], $0x80  }
0x24: {  	s13 =	smov.u32 s11;
	p0 =	por !p0, !p0;
	[sflag:s14] =	ssyncset.done @!p1 $0x0  }
0x25: {  	s12 =	smov.u32 s16;
	s11 =	smov.u32 s15;
	[sflag:s14] =	ssyncadd.s32 @!p1 $0xFFFFFF80  }
.LBB2_1:
0x26: {  	p1 =	sge.u32 s12, s8  }
0x27: {  	s14 =	sxor.u32 @!p1 $0xFFFFFFFF, s12  }
0x28: {  	s31 =	sadd.s32 $0xFFFFFFFF, s12;
	s15 =	sshrl.u32 @!p1 s11, $0x3;
	s14 =	sshll.u32 @!p1 s14, $0x7  }
0x29: {  	s16 =	sand.u32 @!p1 $0x7, s11;
	s15 =	sadd.s32 @!p1 s4, s15;
	s14 =	sand.u32 @!p1 $0x80, s14  }
0x2a: {  	[tilespmem:s14], [sflag:$0x2] =	stream.linear.gather @!p1 [hbm4b:s15+s16], $0x80, $0x38;
	[tilespmem:$0x200] =	vst v63  }
0x2b: {  	p1 =	sge.u32 s31, s8  }
.Ltmp2:
0x2c: {  	_ = 	snop;
	(pc) =	sbr.rel @p1 .LBB2_5-.Ltmp2, $1  }
0x2d: {  	_ =	sdelay $0x3  }
0x2e: {  	s14 =	simm.s32 $0x1  }
0x2f: {  	_ =	swait.ge [sflag:s7], $0x80;
	s14 =	simm.s32 @!p0 $0x0  }
0x30: {  	[sflag:s7] =	ssyncset.done $0x0;
	s14 =	sshll.u32 s14, $0x7  }
0x31: {  	[sflag:s7] =	ssyncadd.s32 $0xFFFFFF80;
	(ifvalue) =	ssetifvalue $0x7FFFFFFF;
	v0 =	vld.msk [tilespmem:s14+$0x0 ss:$0x1], $0xffff  }
0x32: {  	s15 =	sadd.s32 $0x10, s14  }
0x33: {  	v1 =	vld.msk [tilespmem:s15+$0x0 ss:$0x1], $0xffff;
	_ =	sdelay $0x2  }
0x34: {  	vm1 =	veq.s32 v0, $0x80000000;
	v2 =	vand.u32 $0x7, v0;
	v3 =	vshrl.u32 v0, $0x3  }
0x35: {  	v0 =	vand.u32 $0xF800, v0;
	v2 =	vsel vm1, $0xFFFFFFFF, v2;
	v3 =	vand.u32 $0xFF, v3  }
0x36: {  	v0 =	vsel vm1, $0xFFFFF800, v0;
	v5 =	vand.u32 $0xF800, v1;
	v4 =	vand.u32 $0xFFFFF800, v2  }
0x37: {  	v2 =	vshll.u32 v2, $0x7;
	v3 =	vsel vm1, $0xFFFFFFFF, v3;
	vm1 =	veq.s32 v1, $0x80000000  }
0x38: {  	v2 =	vand.u32 $0x380, v2;
	v0 =	vadd.s32 v0, v4;
	v4 =	vand.u32 $0x7F, v3  }
0x39: {  	v3 =	vshll.u32 v3, $0x3;
	v5 =	vsel vm1, $0xFFFFF800, v5;
	v0 =	vor.u32 v2, v0  }
0x3a: {  	s17 =	sadd.s32 $0x10, s15;
	v2 =	vand.u32 $0x7, v1;
	v1 =	vshrl.u32 v1, $0x3;
	v6 =	vand.u32 $0xFFFFFC00, v3  }
0x3b: {  	s16 =	sshll.u32 s12, $0x7;
	v2 =	vsel vm1, $0xFFFFFFFF, v2;
	v3 =	vand.u32 $0xFF, v1;
	v1 =	vld.msk [tilespmem:s17+$0x0 ss:$0x1], $0xffff;
	v0 =	vor.u32 v4, v0  }
0x3c: {  	s18 =	simm.s32 $0x20;
	s31 =	sand.u32 $0x80, s16;
	s15 =	sor.u32 $0x100, s14;
	v7 =	vand.u32 $0xFFFFF800, v2;
	v2 =	vshll.u32 v2, $0x7;
	v3 =	vsel vm1, $0xFFFFFFFF, v3  }
0x3d: {  	s14 =	sor.u32 $0x100, s31;
	s16 =	smov.u32 s15;
	(ifvalue) =	ssetifvalue $0x7FFFFFFF;
	v0 =	vadd.s32 v6, v0;
	v2 =	vand.u32 $0x380, v2;
	v4 =	vadd.s32 v5, v7  }
.LBB2_3:
0x3e: {  	s18 =	sadd.s32 $0x10, s18  }
0x3f: {  	s17 =	sadd.s32 $0x10, s17;
	v5 =	vand.u32 $0x7F, v3;
	v3 =	vshll.u32 v3, $0x3;
	v4 =	vor.u32 v2, v4;
	s15 =	sadd.s32 $0x10, s15;
	p1 =	slt.u32 s18, $0x70  }
.Ltmp3:
0x40: {  	vm1 =	veq.s32 v1, $0x80000000;
	v2 =	vand.u32 $0x7, v1;
	v6 =	vand.u32 $0xF800, v1;
	v7 =	vmovc v1;
	v1 =	vld.msk [tilespmem:s17+$0x0 ss:$0x1], $0xffff;
	(pc) =	sbr.rel @p1 .LBB2_3-.Ltmp3, $4  }
0x41: {  	v2 =	vsel vm1, $0xFFFFFFFF, v2;
	v7 =	vshrl.u32 v7, $0x3;
	v8 =	vand.u32 $0xFFFFFC00, v3  }
0x42: {  	v3 =	vand.u32 $0xFF, v7;
	v7 =	vand.u32 $0xFFFFF800, v2;
	v2 =	vshll.u32 v2, $0x7  }
0x43: {  	v6 =	vsel vm1, $0xFFFFF800, v6;
	v5 =	vor.u32 v5, v4;
	v2 =	vand.u32 $0x380, v2;
	[tilespmem:s16], [sflag:$0x1] =	stream.indirect_vreg.gather [hbm4b:s2+s10], $0x1, v0, vm0, $0x4038;
	[tilespmem:$0x200] =	vst v63  }
0x44: {  	v3 =	vsel vm1, $0xFFFFFFFF, v3;
	v4 =	vadd.s32 v6, v7;
	v0 =	vadd.s32 v8, v5;
	s16 =	smov.u32 s15;
	(ifvalue) =	ssetifvalue $0x7FFFFFFF  }
.Ltmp4:
0x45: {  	_ = 	snop;
	(pc) =	sbr.rel .LBB2_4-.Ltmp4, $1  }
0x46: {  	_ =	sdelay $0x3  }
.LBB2_6:
0x47: {  	_ =	sfence.sel $0x180000  }
0x48: {  	s2 =	simm.s32 $0x2;
	[bflag:$0x0] =	sbarrier.arrive $0xFFFF  }
0x49: {  	s30 =	simm.s32 $0x3;
	[sflag:s2] =	ssyncpa.u1 $0x1  }
0x4a: {  	s31 =	simm.s32 $0x1;
	[sflag:s30] =	ssyncpa.u1 $0x1  }
0x4b: {  	[sflag:s31] =	ssyncpa.u1 $0x1  }
0x4c: {  	p0 =	sne.s32 s1, $0x0;
	_ =	strace $0x90000050  }
0x4d: {  	s0 =	sadd.s32 @!p0 $0x100000, s0;
	[bflag:$0x2] =	sbarrier.arrive $0xFFFF  }
0x4e: {  	[sflag:s0] =	ssyncadd.tile.s32 @!p0 $0x1;
	_ =	shalt  }
.Lfunc_end2:
_tile_overlayer_lowered:
.L_overlay_start_2:
0x4f: {  	(tag) =	ssettag $0x2  }
0x50: {  	s0 =	rddreg [dreg:$0x0];
	s2 =	stileid.u32  }
0x51: {  	s1 =	rddreg [dreg:$0x1];
	p0 =	sne.s32 s2, $0x0  }
0x52: {  	s3 =	rddreg [dreg:$0x2];
	[bflag:$0x3] =	sbarrier.arrive $0xFFFF;
	s2 =	simm.s32 @!p0 $0x1C01  }
0x53: {  	[timem:s3], [sflag:s2] =	dma.local @!p0 [hbm:s0], s1  }
0x54: {  	s0 =	simm.s32 @!p0 $0x1  }
0x55: {  	_ =	swait.ge @!p0 [sflag:s0], s1  }
0x56: {  	s1 =	ssub.s32 @!p0 $0x0, s1;
	[sflag:s0] =	ssyncset.done @!p0 $0x0  }
0x57: {  	[sflag:s0] =	ssyncadd.s32 @!p0 s1  }
0x58: {  	[bflag:$0x3] =	sbarrier.arrive $0xFFFF  }
0x59: {  	_ =	shalt  }

// kernel: gather_offload_async_start.3
scs
__scs_entry_jumppad:
0x0: {  	(pc) =	sbr.rel $0x88, $3  }
0x1: {  	(tag) =	ssettag $0x0;
	lr =	simm.s32 $0x1  }
0x2: {  	[smem:$0x3F81] =	sst lr;
	_ =	strace $0xD0000000  }
0x3: {  	_ = 	snop  }
0x4: {  	_ = 	snop  }
0x5: {  	_ = 	snop  }
0x6: {  	_ = 	snop  }
0x7: {  	_ = 	snop  }
__scs_overlays_trampoline_lowered:
0x8: {  	[smem:$0x3F90] =	sst s0  }
0x9: {  	[smem:$0x3F91] =	sst s1  }
0xa: {  	[smem:$0x3F92] =	sst s2  }
0xb: {  	[smem:$0x3F93] =	sst s3  }
0xc: {  	[smem:$0x3F94] =	sst s4  }
0xd: {  	[smem:$0x3F95] =	sst s5  }
0xe: {  	[smem:$0x3F96] =	sst s6  }
0xf: {  	[smem:$0x3F97] =	sst s7  }
0x10: {  	[smem:$0x3F98] =	sst s8  }
0x11: {  	[smem:$0x3F99] =	sst s9;
	s0 =	simm.s32 @!p0 $0x0  }
0x12: {  	s1 =	sld [smem:$0x3F7F];
	s0 =	simm.s32 @p0 $0x1  }
0x13: {  	[smem:$0x3F9A] =	sst s0;
	s0 =	simm.s32 @!p1 $0x0  }
0x14: {  	s2 =	sld [smem:$0x3F7E];
	s0 =	simm.s32 @p1 $0x1  }
0x15: {  	[smem:$0x3F9B] =	sst s0;
	s0 =	simm.s32 @!p2 $0x0  }
0x16: {  	s3 =	sld [smem:$0x3FDB];
	s0 =	simm.s32 @p2 $0x1  }
0x17: {  	s4 =	simm.s32 $0x1BF5;
	[smem:$0x3F9D] =	sst s0  }
0x18: {  	s0 =	sld [smem:$0x3F80];
	_ =	swait.ge [sflag:s4], $0x0  }
0x19: {  	s7 =	sld [smem:$0x3F81]  }
0x1a: {  	s8 =	sadd.s32 $0xFFFFE003, lr  }
0x1b: {  	s9 =	sadd.s32 $0xFFFFFEF7, lr;
	s5 =	simm.s32 $0xFFFFFFFF;
	p2 =	slt.u32 s8, $0xFFFFF086  }
0x1c: {  	p1 =	slt.u32 s9, $0xF7A;
	s5 =	simm.s32 @!p2 $0x0  }
0x1d: {  	s5 =	simm.s32 @p1 $0x1;
	p0 =	seq.s32 s7, s2  }
0x1e: {  	s7 =	smul.u32 @!p0 $0xF7A, s2;
	p2 =	seq.s32 @!p0 s5, $0x0  }
0x1f: {  	s9 =	smul.u32 $0xF7A, s1;
	s8 =	simm.s32 @!p0 $0x1BF5;
	p2 =	por !p2, p0  }
0x20: {  	[sflag:s8] =	ssyncset.s32 @!p0 $0xFFFFF086;
	s6 =	sadd.s32 @!p0 s3, s7;
	s7 =	simm.s32 @!p0 $0x108  }
0x21: {  	s3 =	sadd.s32 s3, s9;
	s6 =	sadd.s32 @!p0 $0x88, s6;
	s7 =	simm.s32 @p2 $0x1082  }
0x22: {  	[simem:s7], [sflag:s8] =	dma.local @!p0 [hbm:s6], $0xF7A  }
0x23: {  	s9 =	sor.u32 $0xD0000000, s2;
	s6 =	simm.s32 $0x108;
	_ =	swait.ge @!p0 [sflag:s8], $0x0  }
0x24: {  	s3 =	sadd.s32 $0x88, s3;
	s6 =	simm.s32 @!p1 $0x1082;
	[sflag:s4] =	ssyncset.s32 $0xFFFFF086  }
0x25: {  	[simem:s6], [sflag:s4] =	dma.local [hbm:s3], $0xF7A  }
0x26: {  	[smem:$0x3F81] =	sst s1;
	(tag) =	ssettag s2;
	_ =	strace s9  }
0x27: {  	s1 =	sld [smem:$0x3F91]  }
0x28: {  	s2 =	sld [smem:$0x3F92]  }
0x29: {  	s4 =	sld [smem:$0x3F94]  }
0x2a: {  	p0 =	seq.s32 s5, $0x0;
	s5 =	sld [smem:$0x3F95]  }
0x2b: {  	s6 =	sld [smem:$0x3F96]  }
0x2c: {  	s7 =	sld [smem:$0x3F97]  }
0x2d: {  	s3 =	simm.s32 $0x108;
	s8 =	sld [smem:$0x3F98]  }
0x2e: {  	s3 =	simm.s32 @!p0 $0x1082;
	s9 =	sld [smem:$0x3F99]  }
0x2f: {  	lr =	sadd.s32 s0, s3;
	s0 =	sld [smem:$0x3F90]  }
0x30: {  	s3 =	sld [smem:$0x3F93]  }
0x31: {  	[smem:$0x3F9C] =	sst s10  }
0x32: {  	s10 =	sld [smem:$0x3F9A];
	_ =	sdelay $0x3  }
0x33: {  	p0 =	seq.s32 s10, $0x1;
	s10 =	sld [smem:$0x3F9C];
	_ =	sdelay $0x3  }
0x34: {  	[smem:$0x3F9C] =	sst s10  }
0x35: {  	s10 =	sld [smem:$0x3F9B];
	_ =	sdelay $0x3  }
0x36: {  	p1 =	seq.s32 s10, $0x1;
	s10 =	sld [smem:$0x3F9C];
	_ =	sdelay $0x3  }
0x37: {  	[smem:$0x3F9C] =	sst s10  }
0x38: {  	s10 =	sld [smem:$0x3F9D]  }
0x39: {  	_ = 	snop;
	(pc) =	sbr.ind lr, $3  }
0x3a: {  	_ = 	snop  }
0x3b: {  	_ = 	snop  }
0x3c: {  	p2 =	seq.s32 s10, $0x1;
	s10 =	sld [smem:$0x3F9C]  }
0x3d: {  	_ =	shalt  }
0x3e: {  	_ =	shalt  }
0x3f: {  	_ =	shalt  }
0x40: {  	_ =	shalt  }
0x41: {  	_ =	shalt  }
0x42: {  	_ =	shalt  }
0x43: {  	_ =	shalt  }
0x44: {  	_ =	shalt  }
0x45: {  	_ =	shalt  }
0x46: {  	_ =	shalt  }
0x47: {  	_ =	shalt  }
0x48: {  	_ =	shalt  }
0x49: {  	_ =	shalt  }
0x4a: {  	_ =	shalt  }
0x4b: {  	_ =	shalt  }
0x4c: {  	_ =	shalt  }
0x4d: {  	_ =	shalt  }
0x4e: {  	_ =	shalt  }
0x4f: {  	_ =	shalt  }
0x50: {  	_ =	shalt  }
0x51: {  	_ =	shalt  }
0x52: {  	_ =	shalt  }
0x53: {  	_ =	shalt  }
0x54: {  	_ =	shalt  }
0x55: {  	_ =	shalt  }
0x56: {  	_ =	shalt  }
0x57: {  	_ =	shalt  }
0x58: {  	_ =	shalt  }
0x59: {  	_ =	shalt  }
0x5a: {  	_ =	shalt  }
0x5b: {  	_ =	shalt  }
0x5c: {  	_ =	shalt  }
0x5d: {  	_ =	shalt  }
0x5e: {  	_ =	shalt  }
0x5f: {  	_ =	shalt  }
0x60: {  	_ =	shalt  }
0x61: {  	_ =	shalt  }
0x62: {  	_ =	shalt  }
0x63: {  	_ =	shalt  }
0x64: {  	_ =	shalt  }
0x65: {  	_ =	shalt  }
0x66: {  	_ =	shalt  }
0x67: {  	_ =	shalt  }
0x68: {  	_ =	shalt  }
0x69: {  	_ =	shalt  }
0x6a: {  	_ =	shalt  }
0x6b: {  	_ =	shalt  }
0x6c: {  	_ =	shalt  }
0x6d: {  	_ =	shalt  }
0x6e: {  	_ =	shalt  }
0x6f: {  	_ =	shalt  }
0x70: {  	_ =	shalt  }
0x71: {  	_ =	shalt  }
0x72: {  	_ =	shalt  }
0x73: {  	_ =	shalt  }
0x74: {  	_ =	shalt  }
0x75: {  	_ =	shalt  }
0x76: {  	_ =	shalt  }
0x77: {  	_ =	shalt  }
0x78: {  	_ =	shalt  }
0x79: {  	_ =	shalt  }
0x7a: {  	_ =	shalt  }
0x7b: {  	_ =	shalt  }
0x7c: {  	_ =	shalt  }
0x7d: {  	_ =	shalt  }
0x7e: {  	_ =	shalt  }
0x7f: {  	_ =	shalt  }
0x80: {  	_ =	shalt  }
0x81: {  	_ =	shalt  }
0x82: {  	_ =	shalt  }
0x83: {  	_ =	shalt  }
0x84: {  	_ =	shalt  }
0x85: {  	_ =	shalt  }
0x86: {  	_ =	shalt  }
0x87: {  	_ =	shalt  }
.Lfunc_end0:
.L_simem_size_0:
called_computation.7_lowered:
.L_overlay_start_0:
0x88: {  	s2 =	sld [smem:$0x3FD9]  }
0x89: {  	s3 =	sld [smem:$0x3FFE];
	_ =	sdelay $0x1  }
0x8a: {  	s1 =	srdreg.scid  }
0x8b: {  	s0 =	sand.u32 $0x1, s1  }
0x8c: {  	s16 =	sshll.u32 s0, $0xA;
	s2 =	sadd.s32 s3, s2  }
0x8d: {  	s2 =	sadd.s32 s2, s16  }
0x8e: {  	[smem:$0x3FA8] =	sst s2  }
0x8f: {  	_ = 	snop  }
0x90: {  	(tm) =	ssettm $0x1  }
0x91: {  	s17 =	sld [smem:$0x3FFB];
	_ =	sdelay $0x3  }
0x92: {  	_ =	strace s17  }
0x93: {  	s2 =	sld [smem:$0x3FFC];
	_ =	sdelay $0x3  }
0x94: {  	_ =	strace s2  }
0x95: {  	s2 =	sld [smem:$0x3FFD];
	_ =	sdelay $0x3  }
0x96: {  	_ =	strace s2  }
0x97: {  	_ =	strace $0x8FFFFFFF  }
0x98: {  	s18 =	sld [smem:$0x3FDB];
	_ =	sdelay $0x1  }
0x99: {  	s19 =	simm.s32 $_scs_section_size  }
0x9a: {  	s4 =	simm.s32 $_size__tile_overlayer_lowered;
	s5 =	simm.s32 $_tile_overlayer_lowered  }
0x9b: {  	s22 =	simm.s32 $0x1BFF;
	s21 =	sshll.u32 s5, $0x1;
	s2 =	sadd.s32 s19, s18  }
0x9c: {  	s6 =	simm.s32 $0x0;
	s20 =	sshll.u32 s4, $0x1;
	s4 =	sadd.s32 s21, s2  }
0x9d: {  	[timem:s6], [sflag:s22] =	dma.local [hbm:s4], s20  }
0x9e: {  	_ =	swait.ge [sflag:s22], s20  }
0x9f: {  	s3 =	ssub.s32 $0x0, s20;
	[sflag:s22] =	ssyncset.done $0x0  }
0xa0: {  	[sflag:s22] =	ssyncadd.s32 s3;
	_ =	sdelay $0x1  }
0xa1: {  	s23 =	simm.s32 $0x1B8B  }
0xa2: {  	_ =	swait.ge [sflag:s23], $0x1  }
0xa3: {  	[sflag:s23] =	ssyncset.done $0x0  }
0xa4: {  	s25 =	simm.s32 $0x1B8E;
	s24 =	sld [smem:$0x3FFE];
	[sflag:s23] =	ssyncadd.s32 $0xFFFFFFFF  }
0xa5: {  	s26 =	simm.s32 $execute0_lowered;
	[smem:$0x3FD2] =	sst s25  }
0xa6: {  	s4 =	sshll.u32 s26, $0x1;
	_ =	strace $0x80000058;
	[dreg:$0x1] =	wrdreg $0xFFFFFFFF  }
0xa7: {  	s28 =	simm.s32 $_size_execute0_lowered;
	s2 =	sadd.s32 s2, s4;
	[dreg:$0x0] =	wrdreg $0x0  }
0xa8: {  	s4 =	sshll.u32 s28, $0x1;
	[dreg:$0x2] =	wrdreg s2  }
0xa9: {  	[dreg:$0x3] =	wrdreg s4  }
0xaa: {  	[dreg:$0x4] =	wrdreg $0xC0  }
0xab: {  	_ =	task [dreg:s6], $0x5FFFF  }
0xac: {  	[dreg:$0x1] =	wrdreg $0xFFFFFFFF  }
0xad: {  	[dreg:$0x0] =	wrdreg $0x60  }
0xae: {  	[dreg:$0x2] =	wrdreg s24  }
0xaf: {  	[dreg:$0x3] =	wrdreg $0xA  }
0xb0: {  	_ =	task.clear_ibuf [dreg:s6], $0x4FFFF;
	_ =	strace $0x90000058  }
0xb1: {  	s29 =	simm.s32 $0xA;
	_ =	strace $0x8000005A  }
0xb2: {  	_ =	swait.ge [sflag:s29], $0x1  }
0xb3: {  	[sflag:s29] =	ssyncadd.s32 $0xFFFFFFFF  }
0xb4: {  	_ =	strace $0x9000005A  }
0xb5: {  	_ =	sfence  }
0xb6: {  	s30 =	sld [smem:$0x0];
	_ =	sdelay $0x2  }
0xb7: {  	s31 =	sshll.u32 s1, $0xD;
	s1 =	sshrl.u32 s1, $0x2  }
0xb8: {  	s3 =	sand.u32 $0x4000, s31;
	s1 =	sadd.s32 s1, s30  }
0xb9: {  	s0 =	sor.u32 s3, s0;
	s1 =	sshll.u32 s1, $0x11  }
0xba: {  	s0 =	sor.u32 s1, s0  }
0xbb: {  	s0 =	sadd.s32 $0x8F2B, s0  }
0xbc: {  	[sflag:s0] =	ssyncadd.remote.s32 $0x1  }
0xbd: {  	_ =	sfence.sel $0xFFFF  }
0xbe: {  	[dreg:$0x0] =	wrdreg $0xFFFFFFFF;
	(pc) =	sbr.abs _section_cstart, $3  }
0xbf: {  	[dreg:$0x1] =	wrdreg $0xFFFFFFFF  }
0xc0: {  	_ =	task.clear_ibuf [dreg:s6], $0x2FFFF;
	_ =	strace $0x9FFFFFFF  }
0xc1: {  	(tm) =	ssettm $0x7FFFFFFF  }
tec
execute0_lowered:
.L_overlay_start_1:
0x0: {  	(tag) =	ssettag $0x1  }
0x1: {  	s0 =	srdreg.scid;
	s5 =	rddreg [dreg:$0x0]  }
0x2: {  	s1 =	stileid.u32;
	s6 =	simm.s32 $0x1;
	s9 =	simm.s32 $0x1  }
0x3: {  	s10 =	simm.s32 $0x3;
	s13 =	simm.s32 $0x0;
	s2 =	sshll.u32 s0, $0x9  }
0x4: {  	s12 =	simm.s32 $0x0;
	s3 =	sshll.u32 s1, $0xA;
	s2 =	sand.u32 $0x200, s2  }
0x5: {  	s0 =	rddreg [dreg:$0x1];
	_ =	strace $0x80000059;
	s2 =	sor.u32 s3, s2  }
0x6: {  	s4 =	sadd.s32 $0x16E00, s5;
	[sflag:s6] =	ssyncpa.u1 $0x0;
	s8 =	ssub.s32 $0x6000, s2  }
.Ltmp0:
0x7: {  	s3 =	sadd.s32 $0x32E00, s5;
	s7 =	sand.u32 $0x3E00, s8;
	(pc) =	sbr.rel .LBB2_1-.Ltmp0, $4  }
0x8: {  	s5 =	sadd.s32 $0x2FA00, s5;
	s11 =	smov.u32 s2;
	p0 =	sne.s32 s7, $0x0  }
0x9: {  	s8 =	sshrl.u32 s8, $0xE;
	s7 =	simm.s32 $0x2;
	s9 =	simm.s32 @!p0 $0x0  }
0xa: {  	[sflag:s7] =	ssyncpa.u1 $0x0;
	p0 =	por $0x0, $0x0;
	s8 =	sadd.s32 s9, s8  }
0xb: {  	vm0 =	vmmov $0xffff;
	[sflag:s10] =	ssyncpa.u1 $0x0;
	s10 =	simm.s32 $0x0;
	s9 =	sadd.s32 $0x1, s8  }
.LBB2_4:
0xc: {  	v3 =	vshrl.u32 v0, $0x3;
	v4 =	vshrl.u32 v0, $0xD;
	v1 =	vor.u32 v1, v2  }
0xd: {  	v62 =	vshll.u32 v0, $0x12;
	v60 =	vand.u32 $0x3FF, v3;
	v61 =	vand.u32 $0xFF, v4  }
0xe: {  	v0 =	vand.u32 $0x1C0000, v62;
	v2 =	vsel vm1, $0xFFFFFFFF, v60;
	v3 =	vsel vm1, $0xFFFFFFFF, v61  }
0xf: {  	v0 =	vsel vm1, $0xFFFC0000, v0;
	v63 =	vand.u32 $0x7F, v3;
	v5 =	vshll.u32 v2, $0x8  }
0x10: {  	v3 =	vshll.u32 v3, $0x3;
	v5 =	vand.u32 $0xFFFFF800, v5;
	v0 =	vor.u32 v0, v63  }
0x11: {  	v2 =	vshll.u32 v2, $0x7;
	v3 =	vand.u32 $0xFFFFFC00, v3;
	v0 =	vadd.s32 v5, v0  }
0x12: {  	v2 =	vand.u32 $0x380, v2;
	v0 =	vadd.s32 v3, v0  }
0x13: {  	v0 =	vor.u32 v2, v0;
	_ =	sdelay $0x1  }
0x14: {  	(ifvalue) =	ssetifvalue $0x7FFFFFFF;
	s14 =	sadd.s32 $0x10, s14  }
0x15: {  	[tilespmem:s14], [sflag:$0x1] =	stream.indirect_vreg.gather [hbm4b:s3+s10], $0x1, v1, vm0, $0x4038;
	[tilespmem:$0x800] =	vst v63  }
0x16: {  	(ifvalue) =	ssetifvalue $0x7FFFFFFF;
	s14 =	sadd.s32 $0x10, s14  }
0x17: {  	[tilespmem:s14], [sflag:$0x1] =	stream.indirect_vreg.gather [hbm4b:s3+s10], $0x1, v0, vm0, $0x4038;
	[tilespmem:$0x800] =	vst v63  }
0x18: {  	_ =	swait.ge [sflag:s6], $0x200  }
0x19: {  	s30 =	sshrl.u32 s13, $0x3;
	[sflag:s6] =	ssyncset.done $0x0  }
0x1a: {  	s31 =	sand.u32 $0x7, s13;
	s14 =	sadd.s32 s5, s30;
	[sflag:s6] =	ssyncadd.s32 $0xFFFFFE00  }
0x1b: {  	[hbm4b:s14+s31] =	stream.linear.scatter [tilespmem:s15], [sflag:$0x3], $0x200, $0x38;
	[tilespmem:$0x800] =	vst v63  }
.LBB2_5:
0x1c: {  	s15 =	sadd.s32 $0x4000, s11  }
0x1d: {  	p2 =	sgt.s32 s15, $0x5FFF  }
0x1e: {  	s15 =	smov.u32 @p2 s2;
	p2 =	sne.s32 s12, s9  }
.Ltmp1:
0x1f: {  	p1 =	slt.u32 s12, $0x2;
	(pc) =	sbr.rel @!p2 .LBB2_6-.Ltmp1, $4  }
0x20: {  	s14 =	simm.s32 @!p1 $0x3  }
0x21: {  	s16 =	sadd.s32 $0x1, s12;
	_ =	swait.ge @!p1 [sflag:s14], $0x200  }
0x22: {  	s13 =	smov.u32 s11;
	p0 =	por !p0, !p0;
	[sflag:s14] =	ssyncset.done @!p1 $0x0  }
0x23: {  	s12 =	smov.u32 s16;
	s11 =	smov.u32 s15;
	[sflag:s14] =	ssyncadd.s32 @!p1 $0xFFFFFE00  }
.LBB2_1:
0x24: {  	p1 =	sge.u32 s12, s8  }
0x25: {  	s14 =	sxor.u32 @!p1 $0xFFFFFFFF, s12  }
0x26: {  	s31 =	sadd.s32 $0xFFFFFFFF, s12;
	s15 =	sshrl.u32 @!p1 s11, $0x3;
	s14 =	sshll.u32 @!p1 s14, $0x9  }
0x27: {  	s16 =	sand.u32 @!p1 $0x7, s11;
	s15 =	sadd.s32 @!p1 s4, s15;
	s14 =	sand.u32 @!p1 $0x200, s14  }
0x28: {  	[tilespmem:s14], [sflag:$0x2] =	stream.linear.gather @!p1 [hbm4b:s15+s16], $0x200, $0x38;
	[tilespmem:$0x800] =	vst v63  }
0x29: {  	p1 =	sge.u32 s31, s8  }
.Ltmp2:
0x2a: {  	_ = 	snop;
	(pc) =	sbr.rel @p1 .LBB2_5-.Ltmp2, $1  }
0x2b: {  	_ =	sdelay $0x3  }
0x2c: {  	s14 =	simm.s32 $0x1  }
0x2d: {  	_ =	swait.ge [sflag:s7], $0x200;
	s14 =	simm.s32 @!p0 $0x0  }
0x2e: {  	[sflag:s7] =	ssyncset.done $0x0;
	s14 =	sshll.u32 s14, $0x9  }
0x2f: {  	[sflag:s7] =	ssyncadd.s32 $0xFFFFFE00;
	(ifvalue) =	ssetifvalue $0x7FFFFFFF;
	v0 =	vld.msk [tilespmem:s14+$0x0 ss:$0x1], $0xffff;
	_ =	sdelay $0x4  }
0x30: {  	s15 =	sadd.s32 $0x10, s14;
	vm1 =	veq.s32 v0, $0x80000000;
	v1 =	vshrl.u32 v0, $0x3;
	v2 =	vshrl.u32 v0, $0xD  }
0x31: {  	v3 =	vld.msk [tilespmem:s15+$0x0 ss:$0x1], $0xffff;
	v0 =	vshll.u32 v0, $0x12;
	v1 =	vand.u32 $0x3FF, v1;
	v2 =	vand.u32 $0xFF, v2  }
0x32: {  	v0 =	vand.u32 $0x1C0000, v0;
	v1 =	vsel vm1, $0xFFFFFFFF, v1;
	v2 =	vsel vm1, $0xFFFFFFFF, v2  }
0x33: {  	v0 =	vsel vm1, $0xFFFC0000, v0;
	v4 =	vand.u32 $0x7F, v2;
	v5 =	vshll.u32 v1, $0x8  }
0x34: {  	v2 =	vshll.u32 v2, $0x3;
	v5 =	vand.u32 $0xFFFFF800, v5;
	v0 =	vor.u32 v0, v4  }
0x35: {  	v1 =	vshll.u32 v1, $0x7;
	v2 =	vand.u32 $0xFFFFFC00, v2;
	v0 =	vadd.s32 v5, v0  }
0x36: {  	v62 =	vshrl.u32 v3, $0xD;
	v1 =	vand.u32 $0x380, v1;
	v0 =	vadd.s32 v2, v0  }
0x37: {  	s17 =	sadd.s32 $0x10, s15;
	vm1 =	veq.s32 v3, $0x80000000;
	v2 =	vshrl.u32 v3, $0x3;
	v1 =	vor.u32 v1, v0  }
0x38: {  	v4 =	vand.u32 $0xFF, v62;
	v3 =	vshll.u32 v3, $0x12;
	v0 =	vld.msk [tilespmem:s17+$0x0 ss:$0x1], $0xffff;
	v2 =	vand.u32 $0x3FF, v2  }
0x39: {  	v4 =	vsel vm1, $0xFFFFFFFF, v4;
	v3 =	vand.u32 $0x1C0000, v3;
	v2 =	vsel vm1, $0xFFFFFFFF, v2  }
0x3a: {  	s31 =	sshll.u32 s12, $0x9;
	v63 =	vand.u32 $0x7F, v4;
	v3 =	vsel vm1, $0xFFFC0000, v3;
	v6 =	vshll.u32 v2, $0x8  }
0x3b: {  	s14 =	sor.u32 $0x400, s14;
	s15 =	sand.u32 $0x200, s31;
	v4 =	vshll.u32 v4, $0x3;
	(ifvalue) =	ssetifvalue $0x7FFFFFFF;
	v3 =	vor.u32 v3, v63;
	v6 =	vand.u32 $0xFFFFF800, v6  }
0x3c: {  	v4 =	vand.u32 $0xFFFFFC00, v4;
	[tilespmem:s14], [sflag:$0x1] =	stream.indirect_vreg.gather [hbm4b:s3+s10], $0x1, v1, vm0, $0x4038;
	v1 =	vshll.u32 v2, $0x7;
	v2 =	vadd.s32 v6, v3;
	[tilespmem:$0x800] =	vst v63  }
0x3d: {  	s16 =	simm.s32 $0x20;
	s15 =	sor.u32 $0x400, s15;
	s17 =	sadd.s32 $0x10, s17;
	vm1 =	veq.s32 v0, $0x80000000;
	v1 =	vand.u32 $0x380, v1;
	v2 =	vadd.s32 v4, v2  }
.LBB2_3:
0x3e: {  	v3 =	vld.msk [tilespmem:s17+$0x0 ss:$0x1], $0xffff;
	v4 =	vshrl.u32 v0, $0x3;
	v5 =	vshrl.u32 v0, $0xD;
	v1 =	vor.u32 v1, v2;
	s16 =	sadd.s32 $0x10, s16  }
0x3f: {  	v0 =	vshll.u32 v0, $0x12;
	v2 =	vand.u32 $0x3FF, v4;
	v4 =	vand.u32 $0xFF, v5;
	p1 =	slt.u32 s16, $0x1F0  }
.Ltmp3:
0x40: {  	v0 =	vand.u32 $0x1C0000, v0;
	v2 =	vsel vm1, $0xFFFFFFFF, v2;
	v4 =	vsel vm1, $0xFFFFFFFF, v4;
	(pc) =	sbr.rel @p1 .LBB2_3-.Ltmp3, $4  }
0x41: {  	v0 =	vsel vm1, $0xFFFC0000, v0;
	v5 =	vand.u32 $0x7F, v4;
	v6 =	vshll.u32 v2, $0x8  }
0x42: {  	s14 =	sadd.s32 $0x10, s14;
	v4 =	vshll.u32 v4, $0x3;
	v6 =	vand.u32 $0xFFFFF800, v6;
	v7 =	vor.u32 v0, v5;
	(ifvalue) =	ssetifvalue $0x7FFFFFFF  }
0x43: {  	v2 =	vshll.u32 v2, $0x7;
	v4 =	vand.u32 $0xFFFFFC00, v4;
	v5 =	vadd.s32 v6, v7;
	[tilespmem:s14], [sflag:$0x1] =	stream.indirect_vreg.gather [hbm4b:s3+s10], $0x1, v1, vm0, $0x4038;
	[tilespmem:$0x800] =	vst v63  }
0x44: {  	s17 =	sadd.s32 $0x10, s17;
	vm1 =	veq.s32 v3, $0x80000000;
	v1 =	vand.u32 $0x380, v2;
	v0 =	vmovc v3;
	v2 =	vadd.s32 v4, v5  }
.Ltmp4:
0x45: {  	_ = 	snop;
	(pc) =	sbr.rel .LBB2_4-.Ltmp4, $1  }
0x46: {  	_ =	sdelay $0x3  }
.LBB2_6:
0x47: {  	_ =	sfence.sel $0x180000  }
0x48: {  	s2 =	simm.s32 $0x2;
	[bflag:$0x0] =	sbarrier.arrive $0xFFFF  }
0x49: {  	s30 =	simm.s32 $0x3;
	[sflag:s2] =	ssyncpa.u1 $0x1  }
0x4a: {  	s31 =	simm.s32 $0x1;
	[sflag:s30] =	ssyncpa.u1 $0x1  }
0x4b: {  	[sflag:s31] =	ssyncpa.u1 $0x1  }
0x4c: {  	p0 =	sne.s32 s1, $0x0;
	_ =	strace $0x90000059  }
0x4d: {  	s0 =	sadd.s32 @!p0 $0x100000, s0;
	[bflag:$0x2] =	sbarrier.arrive $0xFFFF  }
0x4e: {  	[sflag:s0] =	ssyncadd.tile.s32 @!p0 $0x1;
	_ =	shalt  }
.Lfunc_end2:
_tile_overlayer_lowered:
.L_overlay_start_2:
0x4f: {  	(tag) =	ssettag $0x2  }
0x50: {  	s0 =	rddreg [dreg:$0x0];
	s2 =	stileid.u32  }
0x51: {  	s1 =	rddreg [dreg:$0x1];
	p0 =	sne.s32 s2, $0x0  }
0x52: {  	s3 =	rddreg [dreg:$0x2];
	[bflag:$0x3] =	sbarrier.arrive $0xFFFF;
	s2 =	simm.s32 @!p0 $0x1C01  }
0x53: {  	[timem:s3], [sflag:s2] =	dma.local @!p0 [hbm:s0], s1  }
0x54: {  	s0 =	simm.s32 @!p0 $0x1  }
0x55: {  	_ =	swait.ge @!p0 [sflag:s0], s1  }
0x56: {  	s1 =	ssub.s32 @!p0 $0x0, s1;
	[sflag:s0] =	ssyncset.done @!p0 $0x0  }
0x57: {  	[sflag:s0] =	ssyncadd.s32 @!p0 s1  }
0x58: {  	[bflag:$0x3] =	sbarrier.arrive $0xFFFF  }
0x59: {  	_ =	shalt  }

// kernel: gather_offload_async_start.4
scs
__scs_entry_jumppad:
0x0: {  	(pc) =	sbr.rel $0x88, $3  }
0x1: {  	(tag) =	ssettag $0x0;
	lr =	simm.s32 $0x1  }
0x2: {  	[smem:$0x3F81] =	sst lr;
	_ =	strace $0xD0000000  }
0x3: {  	_ = 	snop  }
0x4: {  	_ = 	snop  }
0x5: {  	_ = 	snop  }
0x6: {  	_ = 	snop  }
0x7: {  	_ = 	snop  }
__scs_overlays_trampoline_lowered:
0x8: {  	[smem:$0x3F90] =	sst s0  }
0x9: {  	[smem:$0x3F91] =	sst s1  }
0xa: {  	[smem:$0x3F92] =	sst s2  }
0xb: {  	[smem:$0x3F93] =	sst s3  }
0xc: {  	[smem:$0x3F94] =	sst s4  }
0xd: {  	[smem:$0x3F95] =	sst s5  }
0xe: {  	[smem:$0x3F96] =	sst s6  }
0xf: {  	[smem:$0x3F97] =	sst s7  }
0x10: {  	[smem:$0x3F98] =	sst s8  }
0x11: {  	[smem:$0x3F99] =	sst s9;
	s0 =	simm.s32 @!p0 $0x0  }
0x12: {  	s1 =	sld [smem:$0x3F7F];
	s0 =	simm.s32 @p0 $0x1  }
0x13: {  	[smem:$0x3F9A] =	sst s0;
	s0 =	simm.s32 @!p1 $0x0  }
0x14: {  	s2 =	sld [smem:$0x3F7E];
	s0 =	simm.s32 @p1 $0x1  }
0x15: {  	[smem:$0x3F9B] =	sst s0;
	s0 =	simm.s32 @!p2 $0x0  }
0x16: {  	s3 =	sld [smem:$0x3FDB];
	s0 =	simm.s32 @p2 $0x1  }
0x17: {  	s4 =	simm.s32 $0x1BF5;
	[smem:$0x3F9D] =	sst s0  }
0x18: {  	s0 =	sld [smem:$0x3F80];
	_ =	swait.ge [sflag:s4], $0x0  }
0x19: {  	s7 =	sld [smem:$0x3F81]  }
0x1a: {  	s8 =	sadd.s32 $0xFFFFE003, lr  }
0x1b: {  	s9 =	sadd.s32 $0xFFFFFEF7, lr;
	s5 =	simm.s32 $0xFFFFFFFF;
	p2 =	slt.u32 s8, $0xFFFFF086  }
0x1c: {  	p1 =	slt.u32 s9, $0xF7A;
	s5 =	simm.s32 @!p2 $0x0  }
0x1d: {  	s5 =	simm.s32 @p1 $0x1;
	p0 =	seq.s32 s7, s2  }
0x1e: {  	s7 =	smul.u32 @!p0 $0xF7A, s2;
	p2 =	seq.s32 @!p0 s5, $0x0  }
0x1f: {  	s9 =	smul.u32 $0xF7A, s1;
	s8 =	simm.s32 @!p0 $0x1BF5;
	p2 =	por !p2, p0  }
0x20: {  	[sflag:s8] =	ssyncset.s32 @!p0 $0xFFFFF086;
	s6 =	sadd.s32 @!p0 s3, s7;
	s7 =	simm.s32 @!p0 $0x108  }
0x21: {  	s3 =	sadd.s32 s3, s9;
	s6 =	sadd.s32 @!p0 $0x88, s6;
	s7 =	simm.s32 @p2 $0x1082  }
0x22: {  	[simem:s7], [sflag:s8] =	dma.local @!p0 [hbm:s6], $0xF7A  }
0x23: {  	s9 =	sor.u32 $0xD0000000, s2;
	s6 =	simm.s32 $0x108;
	_ =	swait.ge @!p0 [sflag:s8], $0x0  }
0x24: {  	s3 =	sadd.s32 $0x88, s3;
	s6 =	simm.s32 @!p1 $0x1082;
	[sflag:s4] =	ssyncset.s32 $0xFFFFF086  }
0x25: {  	[simem:s6], [sflag:s4] =	dma.local [hbm:s3], $0xF7A  }
0x26: {  	[smem:$0x3F81] =	sst s1;
	(tag) =	ssettag s2;
	_ =	strace s9  }
0x27: {  	s1 =	sld [smem:$0x3F91]  }
0x28: {  	s2 =	sld [smem:$0x3F92]  }
0x29: {  	s4 =	sld [smem:$0x3F94]  }
0x2a: {  	p0 =	seq.s32 s5, $0x0;
	s5 =	sld [smem:$0x3F95]  }
0x2b: {  	s6 =	sld [smem:$0x3F96]  }
0x2c: {  	s7 =	sld [smem:$0x3F97]  }
0x2d: {  	s3 =	simm.s32 $0x108;
	s8 =	sld [smem:$0x3F98]  }
0x2e: {  	s3 =	simm.s32 @!p0 $0x1082;
	s9 =	sld [smem:$0x3F99]  }
0x2f: {  	lr =	sadd.s32 s0, s3;
	s0 =	sld [smem:$0x3F90]  }
0x30: {  	s3 =	sld [smem:$0x3F93]  }
0x31: {  	[smem:$0x3F9C] =	sst s10  }
0x32: {  	s10 =	sld [smem:$0x3F9A];
	_ =	sdelay $0x3  }
0x33: {  	p0 =	seq.s32 s10, $0x1;
	s10 =	sld [smem:$0x3F9C];
	_ =	sdelay $0x3  }
0x34: {  	[smem:$0x3F9C] =	sst s10  }
0x35: {  	s10 =	sld [smem:$0x3F9B];
	_ =	sdelay $0x3  }
0x36: {  	p1 =	seq.s32 s10, $0x1;
	s10 =	sld [smem:$0x3F9C];
	_ =	sdelay $0x3  }
0x37: {  	[smem:$0x3F9C] =	sst s10  }
0x38: {  	s10 =	sld [smem:$0x3F9D]  }
0x39: {  	_ = 	snop;
	(pc) =	sbr.ind lr, $3  }
0x3a: {  	_ = 	snop  }
0x3b: {  	_ = 	snop  }
0x3c: {  	p2 =	seq.s32 s10, $0x1;
	s10 =	sld [smem:$0x3F9C]  }
0x3d: {  	_ =	shalt  }
0x3e: {  	_ =	shalt  }
0x3f: {  	_ =	shalt  }
0x40: {  	_ =	shalt  }
0x41: {  	_ =	shalt  }
0x42: {  	_ =	shalt  }
0x43: {  	_ =	shalt  }
0x44: {  	_ =	shalt  }
0x45: {  	_ =	shalt  }
0x46: {  	_ =	shalt  }
0x47: {  	_ =	shalt  }
0x48: {  	_ =	shalt  }
0x49: {  	_ =	shalt  }
0x4a: {  	_ =	shalt  }
0x4b: {  	_ =	shalt  }
0x4c: {  	_ =	shalt  }
0x4d: {  	_ =	shalt  }
0x4e: {  	_ =	shalt  }
0x4f: {  	_ =	shalt  }
0x50: {  	_ =	shalt  }
0x51: {  	_ =	shalt  }
0x52: {  	_ =	shalt  }
0x53: {  	_ =	shalt  }
0x54: {  	_ =	shalt  }
0x55: {  	_ =	shalt  }
0x56: {  	_ =	shalt  }
0x57: {  	_ =	shalt  }
0x58: {  	_ =	shalt  }
0x59: {  	_ =	shalt  }
0x5a: {  	_ =	shalt  }
0x5b: {  	_ =	shalt  }
0x5c: {  	_ =	shalt  }
0x5d: {  	_ =	shalt  }
0x5e: {  	_ =	shalt  }
0x5f: {  	_ =	shalt  }
0x60: {  	_ =	shalt  }
0x61: {  	_ =	shalt  }
0x62: {  	_ =	shalt  }
0x63: {  	_ =	shalt  }
0x64: {  	_ =	shalt  }
0x65: {  	_ =	shalt  }
0x66: {  	_ =	shalt  }
0x67: {  	_ =	shalt  }
0x68: {  	_ =	shalt  }
0x69: {  	_ =	shalt  }
0x6a: {  	_ =	shalt  }
0x6b: {  	_ =	shalt  }
0x6c: {  	_ =	shalt  }
0x6d: {  	_ =	shalt  }
0x6e: {  	_ =	shalt  }
0x6f: {  	_ =	shalt  }
0x70: {  	_ =	shalt  }
0x71: {  	_ =	shalt  }
0x72: {  	_ =	shalt  }
0x73: {  	_ =	shalt  }
0x74: {  	_ =	shalt  }
0x75: {  	_ =	shalt  }
0x76: {  	_ =	shalt  }
0x77: {  	_ =	shalt  }
0x78: {  	_ =	shalt  }
0x79: {  	_ =	shalt  }
0x7a: {  	_ =	shalt  }
0x7b: {  	_ =	shalt  }
0x7c: {  	_ =	shalt  }
0x7d: {  	_ =	shalt  }
0x7e: {  	_ =	shalt  }
0x7f: {  	_ =	shalt  }
0x80: {  	_ =	shalt  }
0x81: {  	_ =	shalt  }
0x82: {  	_ =	shalt  }
0x83: {  	_ =	shalt  }
0x84: {  	_ =	shalt  }
0x85: {  	_ =	shalt  }
0x86: {  	_ =	shalt  }
0x87: {  	_ =	shalt  }
.Lfunc_end0:
.L_simem_size_0:
called_computation.8_lowered:
.L_overlay_start_0:
0x88: {  	s2 =	sld [smem:$0x3FD9]  }
0x89: {  	s3 =	sld [smem:$0x3FFE];
	_ =	sdelay $0x1  }
0x8a: {  	s1 =	srdreg.scid  }
0x8b: {  	s0 =	sand.u32 $0x1, s1  }
0x8c: {  	s15 =	sshll.u32 s0, $0xA;
	s2 =	sadd.s32 s3, s2  }
0x8d: {  	s2 =	sadd.s32 s2, s15  }
0x8e: {  	[smem:$0x3FA8] =	sst s2  }
0x8f: {  	_ = 	snop  }
0x90: {  	s2 =	sld [smem:$0x3FD0];
	_ =	sdelay $0x2  }
0x91: {  	s16 =	simm.s32 $0xC;
	s4 =	simm.s32 $0x10  }
0x92: {  	[smem:s4], [sflag:s16] =	dma.local [hbm:s2], $0x1  }
0x93: {  	_ =	swait.eq [sflag:s16], $0x1  }
0x94: {  	[sflag:s16] =	ssyncset.done $0x0  }
0x95: {  	[sflag:s16] =	ssyncadd.s32 $0xFFFFFFFF  }
0x96: {  	s17 =	sld [smem:$0x10];
	(tm) =	ssettm $0x1  }
0x97: {  	s18 =	sld [smem:$0x3FFB];
	_ =	sdelay $0x3  }
0x98: {  	_ =	strace s18  }
0x99: {  	s2 =	sld [smem:$0x3FFC];
	_ =	sdelay $0x3  }
0x9a: {  	_ =	strace s2  }
0x9b: {  	s2 =	sld [smem:$0x3FFD];
	_ =	sdelay $0x3  }
0x9c: {  	_ =	strace s2  }
0x9d: {  	_ =	strace $0x8FFFFFFF  }
0x9e: {  	s19 =	sld [smem:$0x3FDB];
	_ =	sdelay $0x1  }
0x9f: {  	s20 =	simm.s32 $_scs_section_size  }
0xa0: {  	s5 =	simm.s32 $_size__tile_overlayer_lowered;
	s6 =	simm.s32 $_tile_overlayer_lowered  }
0xa1: {  	s7 =	simm.s32 $0x1BFF;
	s21 =	sshll.u32 s6, $0x1;
	s4 =	sadd.s32 s20, s19  }
0xa2: {  	s22 =	simm.s32 $0x0;
	s5 =	sshll.u32 s5, $0x1;
	s6 =	sadd.s32 s21, s4  }
0xa3: {  	[timem:s22], [sflag:s7] =	dma.local [hbm:s6], s5  }
0xa4: {  	_ =	swait.ge [sflag:s7], s5  }
0xa5: {  	s5 =	ssub.s32 $0x0, s5;
	[sflag:s7] =	ssyncset.done $0x0  }
0xa6: {  	[sflag:s7] =	ssyncadd.s32 s5;
	_ =	sdelay $0x1  }
0xa7: {  	s23 =	simm.s32 $0x1B8B  }
0xa8: {  	_ =	swait.ge [sflag:s23], $0x1  }
0xa9: {  	[sflag:s23] =	ssyncset.done $0x0  }
0xaa: {  	[sflag:s23] =	ssyncadd.s32 $0xFFFFFFFF  }
0xab: {  	s5 =	sld [smem:$0x0]  }
0xac: {  	s6 =	sand.u32 $0xFFFFFFFE, s1  }
0xad: {  	p0 =	sne.s32 s1, s6  }
0xae: {  	s6 =	sshll.u32 @p0 s6, $0xE  }
0xaf: {  	s6 =	sadd.s32 @p0 $0x11B8D, s6;
	s7 =	sshll.u32 @p0 s5, $0x11  }
0xb0: {  	s6 =	sor.u32 @p0 s7, s6  }
0xb1: {  	[sflag:s6] =	ssyncadd.remote.s32 @p0 $0x1;
	_ =	sdelay $0x1  }
0xb2: {  	s6 =	simm.s32 @p0 $0x1B8D  }
0xb3: {  	_ =	swait.eq @p0 [sflag:s6], $0x1  }
0xb4: {  	[sflag:s6] =	ssyncadd.s32 @p0 $0xFFFFFFFF  }
0xb5: {  	s7 =	sshll.u32 @!p0 s1, $0xE  }
0xb6: {  	s7 =	sor.u32 @!p0 $0x4000, s7;
	s6 =	simm.s32 @!p0 $0x1B8D  }
0xb7: {  	s5 =	sshll.u32 @!p0 s5, $0x11;
	s7 =	sadd.s32 @!p0 $0x11B8D, s7;
	_ =	swait.eq @!p0 [sflag:s6], $0x1  }
0xb8: {  	s5 =	sor.u32 @!p0 s5, s7;
	[sflag:s6] =	ssyncadd.s32 @!p0 $0xFFFFFFFF  }
0xb9: {  	s25 =	simm.s32 $0x1B8E;
	s24 =	sld [smem:$0x3FFE];
	[sflag:s5] =	ssyncadd.remote.s32 @!p0 $0x1  }
0xba: {  	s26 =	simm.s32 $execute0_lowered;
	[smem:$0x3FD2] =	sst s25  }
0xbb: {  	s6 =	sshll.u32 s26, $0x1;
	_ =	strace $0x8000005B;
	[dreg:$0x1] =	wrdreg $0xFFFFFFFF  }
0xbc: {  	s28 =	simm.s32 $_size_execute0_lowered;
	s4 =	sadd.s32 s4, s6;
	[dreg:$0x0] =	wrdreg $0x0  }
0xbd: {  	s6 =	sshll.u32 s28, $0x1;
	[dreg:$0x2] =	wrdreg s4  }
0xbe: {  	[dreg:$0x3] =	wrdreg s6  }
0xbf: {  	[dreg:$0x4] =	wrdreg $0xC0  }
0xc0: {  	_ =	task [dreg:s22], $0x5FFFF  }
0xc1: {  	[dreg:$0x1] =	wrdreg $0xFFFFFFFF  }
0xc2: {  	[dreg:$0x0] =	wrdreg $0x60  }
0xc3: {  	[dreg:$0x2] =	wrdreg s24  }
0xc4: {  	[dreg:$0x3] =	wrdreg s17  }
0xc5: {  	[dreg:$0x4] =	wrdreg $0xB  }
0xc6: {  	_ =	task.clear_ibuf [dreg:s22], $0x5FFFF;
	_ =	strace $0x9000005B  }
0xc7: {  	s29 =	simm.s32 $0xB;
	_ =	strace $0x8000005D  }
0xc8: {  	_ =	swait.ge [sflag:s29], $0x1  }
0xc9: {  	[sflag:s29] =	ssyncadd.s32 $0xFFFFFFFF  }
0xca: {  	_ =	strace $0x9000005D  }
0xcb: {  	_ =	sfence  }
0xcc: {  	s30 =	sld [smem:$0x0];
	_ =	sdelay $0x2  }
0xcd: {  	s31 =	sshll.u32 s1, $0xD;
	s1 =	sshrl.u32 s1, $0x2  }
0xce: {  	s4 =	sand.u32 $0x4000, s31;
	s1 =	sadd.s32 s1, s30  }
0xcf: {  	s0 =	sor.u32 s4, s0;
	s1 =	sshll.u32 s1, $0x11  }
0xd0: {  	s0 =	sor.u32 s1, s0  }
0xd1: {  	s0 =	sadd.s32 $0x8F2B, s0  }
0xd2: {  	[sflag:s0] =	ssyncadd.remote.s32 $0x1  }
0xd3: {  	_ =	sfence.sel $0xFFFF  }
0xd4: {  	[dreg:$0x0] =	wrdreg $0xFFFFFFFF;
	(pc) =	sbr.abs _section_cstart, $3  }
0xd5: {  	[dreg:$0x1] =	wrdreg $0xFFFFFFFF  }
0xd6: {  	_ =	task.clear_ibuf [dreg:s22], $0x2FFFF;
	_ =	strace $0x9FFFFFFF  }
0xd7: {  	(tm) =	ssettm $0x7FFFFFFF  }
tec
execute0_lowered:
.L_overlay_start_1:
0x0: {  	(tag) =	ssettag $0x1  }
0x1: {  	s5 =	rddreg [dreg:$0x0];
	s0 =	srdreg.scid  }
0x2: {  	s2 =	rddreg [dreg:$0x1];
	s1 =	stileid.u32;
	s6 =	simm.s32 $0x1  }
0x3: {  	s9 =	simm.s32 $0x1;
	s10 =	simm.s32 $0x3;
	s3 =	sshll.u32 s0, $0xA  }
0x4: {  	s13 =	simm.s32 $0x0;
	s4 =	sshll.u32 s1, $0xB;
	s3 =	sand.u32 $0x400, s3  }
0x5: {  	s0 =	rddreg [dreg:$0x2];
	_ =	strace $0x8000005C;
	s3 =	sor.u32 s4, s3  }
0x6: {  	s12 =	simm.s32 $0x0;
	[sflag:s6] =	ssyncpa.u1 $0x0;
	s8 =	ssub.s32 $0xC000, s3  }
.Ltmp0:
0x7: {  	s4 =	sadd.s32 $0x229A00, s5;
	s7 =	sand.u32 $0x7C00, s8;
	(pc) =	sbr.rel .LBB2_1-.Ltmp0, $4  }
0x8: {  	s5 =	sadd.s32 $0x5C00, s5;
	s11 =	smov.u32 s3;
	p0 =	sne.s32 s7, $0x0  }
0x9: {  	s8 =	sshrl.u32 s8, $0xF;
	s7 =	simm.s32 $0x2;
	s9 =	simm.s32 @!p0 $0x0  }
0xa: {  	[sflag:s7] =	ssyncpa.u1 $0x0;
	p0 =	por $0x0, $0x0;
	s8 =	sadd.s32 s9, s8  }
0xb: {  	vm0 =	vmmov $0xffff;
	[sflag:s10] =	ssyncpa.u1 $0x0;
	s10 =	simm.s32 $0x0;
	s9 =	sadd.s32 $0x1, s8  }
.LBB2_4:
0xc: {  	v3 =	vshrl.u32 v0, $0x3;
	v4 =	vshrl.u32 v0, $0xE;
	v1 =	vor.u32 v1, v2  }
0xd: {  	v62 =	vshll.u32 v0, $0x15;
	v60 =	vand.u32 $0x7FF, v3;
	v61 =	vand.u32 $0x3FF, v4  }
0xe: {  	v0 =	vand.u32 $0xE00000, v62;
	v2 =	vsel vm1, $0xFFFFFFFF, v60;
	v3 =	vsel vm1, $0xFFFFFFFF, v61  }
0xf: {  	v0 =	vsel vm1, $0xFFE00000, v0;
	v63 =	vand.u32 $0x7F, v3;
	v5 =	vshll.u32 v2, $0xA  }
0x10: {  	v3 =	vshll.u32 v3, $0x3;
	v5 =	vand.u32 $0xFFFFE000, v5;
	v0 =	vor.u32 v0, v63  }
0x11: {  	v2 =	vshll.u32 v2, $0x7;
	v3 =	vand.u32 $0xFFFFFC00, v3;
	v0 =	vadd.s32 v5, v0  }
0x12: {  	v2 =	vand.u32 $0x380, v2;
	v0 =	vadd.s32 v3, v0  }
0x13: {  	v0 =	vor.u32 v2, v0;
	_ =	sdelay $0x1  }
0x14: {  	(ifvalue) =	ssetifvalue $0x7FFFFFFF;
	s14 =	sadd.s32 $0x10, s14  }
0x15: {  	[tilespmem:s14], [sflag:$0x1] =	stream.indirect_vreg.gather [hbm4b:s4+s10], $0x1, v1, vm0, $0x4038;
	[tilespmem:$0x1000] =	vst v63  }
0x16: {  	(ifvalue) =	ssetifvalue $0x7FFFFFFF;
	s14 =	sadd.s32 $0x10, s14  }
0x17: {  	[tilespmem:s14], [sflag:$0x1] =	stream.indirect_vreg.gather [hbm4b:s4+s10], $0x1, v0, vm0, $0x4038;
	[tilespmem:$0x1000] =	vst v63  }
0x18: {  	_ =	swait.ge [sflag:s6], $0x400  }
0x19: {  	s30 =	sshrl.u32 s13, $0x3;
	[sflag:s6] =	ssyncset.done $0x0  }
0x1a: {  	s31 =	sand.u32 $0x7, s13;
	s14 =	sadd.s32 s2, s30;
	[sflag:s6] =	ssyncadd.s32 $0xFFFFFC00  }
0x1b: {  	[hbm4b:s14+s31] =	stream.linear.scatter [tilespmem:s15], [sflag:$0x3], $0x400, $0x38;
	[tilespmem:$0x1000] =	vst v63  }
.LBB2_5:
0x1c: {  	s15 =	sadd.s32 $0x8000, s11  }
0x1d: {  	p2 =	sgt.s32 s15, $0xBFFF  }
0x1e: {  	s15 =	smov.u32 @p2 s3;
	p2 =	sne.s32 s12, s9  }
.Ltmp1:
0x1f: {  	p1 =	slt.u32 s12, $0x2;
	(pc) =	sbr.rel @!p2 .LBB2_6-.Ltmp1, $4  }
0x20: {  	s14 =	simm.s32 @!p1 $0x3  }
0x21: {  	s16 =	sadd.s32 $0x1, s12;
	_ =	swait.ge @!p1 [sflag:s14], $0x400  }
0x22: {  	s13 =	smov.u32 s11;
	p0 =	por !p0, !p0;
	[sflag:s14] =	ssyncset.done @!p1 $0x0  }
0x23: {  	s12 =	smov.u32 s16;
	s11 =	smov.u32 s15;
	[sflag:s14] =	ssyncadd.s32 @!p1 $0xFFFFFC00  }
.LBB2_1:
0x24: {  	p1 =	sge.u32 s12, s8  }
0x25: {  	s14 =	sxor.u32 @!p1 $0xFFFFFFFF, s12  }
0x26: {  	s31 =	sadd.s32 $0xFFFFFFFF, s12;
	s15 =	sshrl.u32 @!p1 s11, $0x3;
	s14 =	sshll.u32 @!p1 s14, $0xA  }
0x27: {  	s16 =	sand.u32 @!p1 $0x7, s11;
	s15 =	sadd.s32 @!p1 s5, s15;
	s14 =	sand.u32 @!p1 $0x400, s14  }
0x28: {  	[tilespmem:s14], [sflag:$0x2] =	stream.linear.gather @!p1 [hbm4b:s15+s16], $0x400, $0x38;
	[tilespmem:$0x1000] =	vst v63  }
0x29: {  	p1 =	sge.u32 s31, s8  }
.Ltmp2:
0x2a: {  	_ = 	snop;
	(pc) =	sbr.rel @p1 .LBB2_5-.Ltmp2, $1  }
0x2b: {  	_ =	sdelay $0x3  }
0x2c: {  	s14 =	simm.s32 $0x1  }
0x2d: {  	_ =	swait.ge [sflag:s7], $0x400;
	s14 =	simm.s32 @!p0 $0x0  }
0x2e: {  	[sflag:s7] =	ssyncset.done $0x0;
	s14 =	sshll.u32 s14, $0xA  }
0x2f: {  	[sflag:s7] =	ssyncadd.s32 $0xFFFFFC00;
	(ifvalue) =	ssetifvalue $0x7FFFFFFF;
	v0 =	vld.msk [tilespmem:s14+$0x0 ss:$0x1], $0xffff;
	_ =	sdelay $0x4  }
0x30: {  	s15 =	sadd.s32 $0x10, s14;
	vm1 =	veq.s32 v0, $0x80000000;
	v1 =	vshrl.u32 v0, $0x3;
	v2 =	vshrl.u32 v0, $0xE  }
0x31: {  	v3 =	vld.msk [tilespmem:s15+$0x0 ss:$0x1], $0xffff;
	v0 =	vshll.u32 v0, $0x15;
	v1 =	vand.u32 $0x7FF, v1;
	v2 =	vand.u32 $0x3FF, v2  }
0x32: {  	v0 =	vand.u32 $0xE00000, v0;
	v1 =	vsel vm1, $0xFFFFFFFF, v1;
	v2 =	vsel vm1, $0xFFFFFFFF, v2  }
0x33: {  	v0 =	vsel vm1, $0xFFE00000, v0;
	v4 =	vand.u32 $0x7F, v2;
	v5 =	vshll.u32 v1, $0xA  }
0x34: {  	v2 =	vshll.u32 v2, $0x3;
	v5 =	vand.u32 $0xFFFFE000, v5;
	v0 =	vor.u32 v0, v4  }
0x35: {  	v1 =	vshll.u32 v1, $0x7;
	v2 =	vand.u32 $0xFFFFFC00, v2;
	v0 =	vadd.s32 v5, v0  }
0x36: {  	v62 =	vshrl.u32 v3, $0xE;
	v1 =	vand.u32 $0x380, v1;
	v0 =	vadd.s32 v2, v0  }
0x37: {  	s17 =	sadd.s32 $0x10, s15;
	vm1 =	veq.s32 v3, $0x80000000;
	v2 =	vshrl.u32 v3, $0x3;
	v1 =	vor.u32 v1, v0  }
0x38: {  	v4 =	vand.u32 $0x3FF, v62;
	v3 =	vshll.u32 v3, $0x15;
	v0 =	vld.msk [tilespmem:s17+$0x0 ss:$0x1], $0xffff;
	v2 =	vand.u32 $0x7FF, v2  }
0x39: {  	v4 =	vsel vm1, $0xFFFFFFFF, v4;
	v3 =	vand.u32 $0xE00000, v3;
	v2 =	vsel vm1, $0xFFFFFFFF, v2  }
0x3a: {  	s31 =	sshll.u32 s12, $0xA;
	v63 =	vand.u32 $0x7F, v4;
	v3 =	vsel vm1, $0xFFE00000, v3;
	v6 =	vshll.u32 v2, $0xA  }
0x3b: {  	s14 =	sor.u32 $0x800, s14;
	s15 =	sand.u32 $0x400, s31;
	v4 =	vshll.u32 v4, $0x3;
	(ifvalue) =	ssetifvalue $0x7FFFFFFF;
	v3 =	vor.u32 v3, v63;
	v6 =	vand.u32 $0xFFFFE000, v6  }
0x3c: {  	v4 =	vand.u32 $0xFFFFFC00, v4;
	[tilespmem:s14], [sflag:$0x1] =	stream.indirect_vreg.gather [hbm4b:s4+s10], $0x1, v1, vm0, $0x4038;
	v1 =	vshll.u32 v2, $0x7;
	v2 =	vadd.s32 v6, v3;
	[tilespmem:$0x1000] =	vst v63  }
0x3d: {  	s16 =	simm.s32 $0x20;
	s15 =	sor.u32 $0x800, s15;
	s17 =	sadd.s32 $0x10, s17;
	vm1 =	veq.s32 v0, $0x80000000;
	v1 =	vand.u32 $0x380, v1;
	v2 =	vadd.s32 v4, v2  }
.LBB2_3:
0x3e: {  	v3 =	vld.msk [tilespmem:s17+$0x0 ss:$0x1], $0xffff;
	v4 =	vshrl.u32 v0, $0x3;
	v5 =	vshrl.u32 v0, $0xE;
	v1 =	vor.u32 v1, v2;
	s16 =	sadd.s32 $0x10, s16  }
0x3f: {  	v0 =	vshll.u32 v0, $0x15;
	v2 =	vand.u32 $0x7FF, v4;
	v4 =	vand.u32 $0x3FF, v5;
	p1 =	slt.u32 s16, $0x3F0  }
.Ltmp3:
0x40: {  	v0 =	vand.u32 $0xE00000, v0;
	v2 =	vsel vm1, $0xFFFFFFFF, v2;
	v4 =	vsel vm1, $0xFFFFFFFF, v4;
	(pc) =	sbr.rel @p1 .LBB2_3-.Ltmp3, $4  }
0x41: {  	v0 =	vsel vm1, $0xFFE00000, v0;
	v5 =	vand.u32 $0x7F, v4;
	v6 =	vshll.u32 v2, $0xA  }
0x42: {  	s14 =	sadd.s32 $0x10, s14;
	v4 =	vshll.u32 v4, $0x3;
	v6 =	vand.u32 $0xFFFFE000, v6;
	v7 =	vor.u32 v0, v5;
	(ifvalue) =	ssetifvalue $0x7FFFFFFF  }
0x43: {  	v2 =	vshll.u32 v2, $0x7;
	v4 =	vand.u32 $0xFFFFFC00, v4;
	v5 =	vadd.s32 v6, v7;
	[tilespmem:s14], [sflag:$0x1] =	stream.indirect_vreg.gather [hbm4b:s4+s10], $0x1, v1, vm0, $0x4038;
	[tilespmem:$0x1000] =	vst v63  }
0x44: {  	s17 =	sadd.s32 $0x10, s17;
	vm1 =	veq.s32 v3, $0x80000000;
	v1 =	vand.u32 $0x380, v2;
	v0 =	vmovc v3;
	v2 =	vadd.s32 v4, v5  }
.Ltmp4:
0x45: {  	_ = 	snop;
	(pc) =	sbr.rel .LBB2_4-.Ltmp4, $1  }
0x46: {  	_ =	sdelay $0x3  }
.LBB2_6:
0x47: {  	_ =	sfence.sel $0x180000  }
0x48: {  	s2 =	simm.s32 $0x2;
	[bflag:$0x0] =	sbarrier.arrive $0xFFFF  }
0x49: {  	s30 =	simm.s32 $0x3;
	[sflag:s2] =	ssyncpa.u1 $0x1  }
0x4a: {  	s31 =	simm.s32 $0x1;
	[sflag:s30] =	ssyncpa.u1 $0x1  }
0x4b: {  	[sflag:s31] =	ssyncpa.u1 $0x1  }
0x4c: {  	p0 =	sne.s32 s1, $0x0;
	_ =	strace $0x9000005C  }
0x4d: {  	s0 =	sadd.s32 @!p0 $0x100000, s0;
	[bflag:$0x2] =	sbarrier.arrive $0xFFFF  }
0x4e: {  	[sflag:s0] =	ssyncadd.tile.s32 @!p0 $0x1;
	_ =	shalt  }
.Lfunc_end2:
_tile_overlayer_lowered:
.L_overlay_start_2:
0x4f: {  	(tag) =	ssettag $0x2  }
0x50: {  	s0 =	rddreg [dreg:$0x0];
	s2 =	stileid.u32  }
0x51: {  	s1 =	rddreg [dreg:$0x1];
	p0 =	sne.s32 s2, $0x0  }
0x52: {  	s3 =	rddreg [dreg:$0x2];
	[bflag:$0x3] =	sbarrier.arrive $0xFFFF;
	s2 =	simm.s32 @!p0 $0x1C01  }
0x53: {  	[timem:s3], [sflag:s2] =	dma.local @!p0 [hbm:s0], s1  }
0x54: {  	s0 =	simm.s32 @!p0 $0x1  }
0x55: {  	_ =	swait.ge @!p0 [sflag:s0], s1  }
0x56: {  	s1 =	ssub.s32 @!p0 $0x0, s1;
	[sflag:s0] =	ssyncset.done @!p0 $0x0  }
0x57: {  	[sflag:s0] =	ssyncadd.s32 @!p0 s1  }
0x58: {  	[bflag:$0x3] =	sbarrier.arrive $0xFFFF  }
0x59: {  	_ =	shalt  }

// kernel: gather_offload_async_start
scs
__scs_entry_jumppad:
0x0: {  	(pc) =	sbr.rel $0x88, $3  }
0x1: {  	(tag) =	ssettag $0x0;
	lr =	simm.s32 $0x1  }
0x2: {  	[smem:$0x3F81] =	sst lr;
	_ =	strace $0xD0000000  }
0x3: {  	_ = 	snop  }
0x4: {  	_ = 	snop  }
0x5: {  	_ = 	snop  }
0x6: {  	_ = 	snop  }
0x7: {  	_ = 	snop  }
__scs_overlays_trampoline_lowered:
0x8: {  	[smem:$0x3F90] =	sst s0  }
0x9: {  	[smem:$0x3F91] =	sst s1  }
0xa: {  	[smem:$0x3F92] =	sst s2  }
0xb: {  	[smem:$0x3F93] =	sst s3  }
0xc: {  	[smem:$0x3F94] =	sst s4  }
0xd: {  	[smem:$0x3F95] =	sst s5  }
0xe: {  	[smem:$0x3F96] =	sst s6  }
0xf: {  	[smem:$0x3F97] =	sst s7  }
0x10: {  	[smem:$0x3F98] =	sst s8  }
0x11: {  	[smem:$0x3F99] =	sst s9;
	s0 =	simm.s32 @!p0 $0x0  }
0x12: {  	s1 =	sld [smem:$0x3F7F];
	s0 =	simm.s32 @p0 $0x1  }
0x13: {  	[smem:$0x3F9A] =	sst s0;
	s0 =	simm.s32 @!p1 $0x0  }
0x14: {  	s2 =	sld [smem:$0x3F7E];
	s0 =	simm.s32 @p1 $0x1  }
0x15: {  	[smem:$0x3F9B] =	sst s0;
	s0 =	simm.s32 @!p2 $0x0  }
0x16: {  	s3 =	sld [smem:$0x3FDB];
	s0 =	simm.s32 @p2 $0x1  }
0x17: {  	s4 =	simm.s32 $0x1BF5;
	[smem:$0x3F9D] =	sst s0  }
0x18: {  	s0 =	sld [smem:$0x3F80];
	_ =	swait.ge [sflag:s4], $0x0  }
0x19: {  	s7 =	sld [smem:$0x3F81]  }
0x1a: {  	s8 =	sadd.s32 $0xFFFFE003, lr  }
0x1b: {  	s9 =	sadd.s32 $0xFFFFFEF7, lr;
	s5 =	simm.s32 $0xFFFFFFFF;
	p2 =	slt.u32 s8, $0xFFFFF086  }
0x1c: {  	p1 =	slt.u32 s9, $0xF7A;
	s5 =	simm.s32 @!p2 $0x0  }
0x1d: {  	s5 =	simm.s32 @p1 $0x1;
	p0 =	seq.s32 s7, s2  }
0x1e: {  	s7 =	smul.u32 @!p0 $0xF7A, s2;
	p2 =	seq.s32 @!p0 s5, $0x0  }
0x1f: {  	s9 =	smul.u32 $0xF7A, s1;
	s8 =	simm.s32 @!p0 $0x1BF5;
	p2 =	por !p2, p0  }
0x20: {  	[sflag:s8] =	ssyncset.s32 @!p0 $0xFFFFF086;
	s6 =	sadd.s32 @!p0 s3, s7;
	s7 =	simm.s32 @!p0 $0x108  }
0x21: {  	s3 =	sadd.s32 s3, s9;
	s6 =	sadd.s32 @!p0 $0x88, s6;
	s7 =	simm.s32 @p2 $0x1082  }
0x22: {  	[simem:s7], [sflag:s8] =	dma.local @!p0 [hbm:s6], $0xF7A  }
0x23: {  	s9 =	sor.u32 $0xD0000000, s2;
	s6 =	simm.s32 $0x108;
	_ =	swait.ge @!p0 [sflag:s8], $0x0  }
0x24: {  	s3 =	sadd.s32 $0x88, s3;
	s6 =	simm.s32 @!p1 $0x1082;
	[sflag:s4] =	ssyncset.s32 $0xFFFFF086  }
0x25: {  	[simem:s6], [sflag:s4] =	dma.local [hbm:s3], $0xF7A  }
0x26: {  	[smem:$0x3F81] =	sst s1;
	(tag) =	ssettag s2;
	_ =	strace s9  }
0x27: {  	s1 =	sld [smem:$0x3F91]  }
0x28: {  	s2 =	sld [smem:$0x3F92]  }
0x29: {  	s4 =	sld [smem:$0x3F94]  }
0x2a: {  	p0 =	seq.s32 s5, $0x0;
	s5 =	sld [smem:$0x3F95]  }
0x2b: {  	s6 =	sld [smem:$0x3F96]  }
0x2c: {  	s7 =	sld [smem:$0x3F97]  }
0x2d: {  	s3 =	simm.s32 $0x108;
	s8 =	sld [smem:$0x3F98]  }
0x2e: {  	s3 =	simm.s32 @!p0 $0x1082;
	s9 =	sld [smem:$0x3F99]  }
0x2f: {  	lr =	sadd.s32 s0, s3;
	s0 =	sld [smem:$0x3F90]  }
0x30: {  	s3 =	sld [smem:$0x3F93]  }
0x31: {  	[smem:$0x3F9C] =	sst s10  }
0x32: {  	s10 =	sld [smem:$0x3F9A];
	_ =	sdelay $0x3  }
0x33: {  	p0 =	seq.s32 s10, $0x1;
	s10 =	sld [smem:$0x3F9C];
	_ =	sdelay $0x3  }
0x34: {  	[smem:$0x3F9C] =	sst s10  }
0x35: {  	s10 =	sld [smem:$0x3F9B];
	_ =	sdelay $0x3  }
0x36: {  	p1 =	seq.s32 s10, $0x1;
	s10 =	sld [smem:$0x3F9C];
	_ =	sdelay $0x3  }
0x37: {  	[smem:$0x3F9C] =	sst s10  }
0x38: {  	s10 =	sld [smem:$0x3F9D]  }
0x39: {  	_ = 	snop;
	(pc) =	sbr.ind lr, $3  }
0x3a: {  	_ = 	snop  }
0x3b: {  	_ = 	snop  }
0x3c: {  	p2 =	seq.s32 s10, $0x1;
	s10 =	sld [smem:$0x3F9C]  }
0x3d: {  	_ =	shalt  }
0x3e: {  	_ =	shalt  }
0x3f: {  	_ =	shalt  }
0x40: {  	_ =	shalt  }
0x41: {  	_ =	shalt  }
0x42: {  	_ =	shalt  }
0x43: {  	_ =	shalt  }
0x44: {  	_ =	shalt  }
0x45: {  	_ =	shalt  }
0x46: {  	_ =	shalt  }
0x47: {  	_ =	shalt  }
0x48: {  	_ =	shalt  }
0x49: {  	_ =	shalt  }
0x4a: {  	_ =	shalt  }
0x4b: {  	_ =	shalt  }
0x4c: {  	_ =	shalt  }
0x4d: {  	_ =	shalt  }
0x4e: {  	_ =	shalt  }
0x4f: {  	_ =	shalt  }
0x50: {  	_ =	shalt  }
0x51: {  	_ =	shalt  }
0x52: {  	_ =	shalt  }
0x53: {  	_ =	shalt  }
0x54: {  	_ =	shalt  }
0x55: {  	_ =	shalt  }
0x56: {  	_ =	shalt  }
0x57: {  	_ =	shalt  }
0x58: {  	_ =	shalt  }
0x59: {  	_ =	shalt  }
0x5a: {  	_ =	shalt  }
0x5b: {  	_ =	shalt  }
0x5c: {  	_ =	shalt  }
0x5d: {  	_ =	shalt  }
0x5e: {  	_ =	shalt  }
0x5f: {  	_ =	shalt  }
0x60: {  	_ =	shalt  }
0x61: {  	_ =	shalt  }
0x62: {  	_ =	shalt  }
0x63: {  	_ =	shalt  }
0x64: {  	_ =	shalt  }
0x65: {  	_ =	shalt  }
0x66: {  	_ =	shalt  }
0x67: {  	_ =	shalt  }
0x68: {  	_ =	shalt  }
0x69: {  	_ =	shalt  }
0x6a: {  	_ =	shalt  }
0x6b: {  	_ =	shalt  }
0x6c: {  	_ =	shalt  }
0x6d: {  	_ =	shalt  }
0x6e: {  	_ =	shalt  }
0x6f: {  	_ =	shalt  }
0x70: {  	_ =	shalt  }
0x71: {  	_ =	shalt  }
0x72: {  	_ =	shalt  }
0x73: {  	_ =	shalt  }
0x74: {  	_ =	shalt  }
0x75: {  	_ =	shalt  }
0x76: {  	_ =	shalt  }
0x77: {  	_ =	shalt  }
0x78: {  	_ =	shalt  }
0x79: {  	_ =	shalt  }
0x7a: {  	_ =	shalt  }
0x7b: {  	_ =	shalt  }
0x7c: {  	_ =	shalt  }
0x7d: {  	_ =	shalt  }
0x7e: {  	_ =	shalt  }
0x7f: {  	_ =	shalt  }
0x80: {  	_ =	shalt  }
0x81: {  	_ =	shalt  }
0x82: {  	_ =	shalt  }
0x83: {  	_ =	shalt  }
0x84: {  	_ =	shalt  }
0x85: {  	_ =	shalt  }
0x86: {  	_ =	shalt  }
0x87: {  	_ =	shalt  }
.Lfunc_end0:
.L_simem_size_0:
called_computation.4_lowered:
.L_overlay_start_0:
0x88: {  	s2 =	sld [smem:$0x3FD9]  }
0x89: {  	s3 =	sld [smem:$0x3FFE];
	_ =	sdelay $0x1  }
0x8a: {  	s1 =	srdreg.scid  }
0x8b: {  	s0 =	sand.u32 $0x1, s1  }
0x8c: {  	s14 =	sshll.u32 s0, $0xA;
	s2 =	sadd.s32 s3, s2  }
0x8d: {  	s2 =	sadd.s32 s2, s14  }
0x8e: {  	[smem:$0x3FA8] =	sst s2  }
0x8f: {  	_ = 	snop  }
0x90: {  	s2 =	sld [smem:$0x3FD0];
	_ =	sdelay $0x2  }
0x91: {  	s15 =	simm.s32 $0xC;
	s4 =	simm.s32 $0x10  }
0x92: {  	[smem:s4], [sflag:s15] =	dma.local [hbm:s2], $0x1  }
0x93: {  	_ =	swait.eq [sflag:s15], $0x1  }
0x94: {  	[sflag:s15] =	ssyncset.done $0x0  }
0x95: {  	[sflag:s15] =	ssyncadd.s32 $0xFFFFFFFF  }
0x96: {  	s16 =	sld [smem:$0x10];
	(tm) =	ssettm $0x1  }
0x97: {  	s17 =	sld [smem:$0x3FFB];
	_ =	sdelay $0x3  }
0x98: {  	_ =	strace s17  }
0x99: {  	s3 =	sld [smem:$0x3FFC];
	_ =	sdelay $0x3  }
0x9a: {  	_ =	strace s3  }
0x9b: {  	s3 =	sld [smem:$0x3FFD];
	_ =	sdelay $0x3  }
0x9c: {  	_ =	strace s3  }
0x9d: {  	_ =	strace $0x8FFFFFFF  }
0x9e: {  	s18 =	sld [smem:$0x3FDB];
	_ =	sdelay $0x1  }
0x9f: {  	s19 =	simm.s32 $_scs_section_size  }
0xa0: {  	s5 =	simm.s32 $_size__tile_overlayer_lowered;
	s6 =	simm.s32 $_tile_overlayer_lowered  }
0xa1: {  	s22 =	simm.s32 $0x1BFF;
	s21 =	sshll.u32 s6, $0x1;
	s3 =	sadd.s32 s19, s18  }
0xa2: {  	s7 =	simm.s32 $0x0;
	s20 =	sshll.u32 s5, $0x1;
	s5 =	sadd.s32 s21, s3  }
0xa3: {  	[timem:s7], [sflag:s22] =	dma.local [hbm:s5], s20  }
0xa4: {  	_ =	swait.ge [sflag:s22], s20  }
0xa5: {  	s4 =	ssub.s32 $0x0, s20;
	[sflag:s22] =	ssyncset.done $0x0  }
0xa6: {  	[sflag:s22] =	ssyncadd.s32 s4;
	_ =	sdelay $0x1  }
0xa7: {  	s23 =	simm.s32 $0x1B8B  }
0xa8: {  	_ =	swait.ge [sflag:s23], $0x1  }
0xa9: {  	[sflag:s23] =	ssyncset.done $0x0  }
0xaa: {  	s25 =	simm.s32 $0x1B8E;
	s24 =	sld [smem:$0x3FFE];
	[sflag:s23] =	ssyncadd.s32 $0xFFFFFFFF  }
0xab: {  	s26 =	simm.s32 $execute0_lowered;
	[smem:$0x3FD2] =	sst s25  }
0xac: {  	s5 =	sshll.u32 s26, $0x1;
	_ =	strace $0x80000046;
	[dreg:$0x1] =	wrdreg $0xFFFFFFFF  }
0xad: {  	s28 =	simm.s32 $_size_execute0_lowered;
	s3 =	sadd.s32 s3, s5;
	[dreg:$0x0] =	wrdreg $0x0  }
0xae: {  	s5 =	sshll.u32 s28, $0x1;
	[dreg:$0x2] =	wrdreg s3  }
0xaf: {  	[dreg:$0x3] =	wrdreg s5  }
0xb0: {  	[dreg:$0x4] =	wrdreg $0xC0  }
0xb1: {  	_ =	task [dreg:s7], $0x5FFFF  }
0xb2: {  	[dreg:$0x1] =	wrdreg $0xFFFFFFFF  }
0xb3: {  	[dreg:$0x0] =	wrdreg $0x60  }
0xb4: {  	[dreg:$0x2] =	wrdreg s16  }
0xb5: {  	[dreg:$0x3] =	wrdreg s24  }
0xb6: {  	[dreg:$0x4] =	wrdreg $0x9  }
0xb7: {  	_ =	task.clear_ibuf [dreg:s7], $0x5FFFF;
	_ =	strace $0x90000046  }
0xb8: {  	s29 =	simm.s32 $0x9;
	_ =	strace $0x80000048  }
0xb9: {  	_ =	swait.ge [sflag:s29], $0x1  }
0xba: {  	[sflag:s29] =	ssyncadd.s32 $0xFFFFFFFF  }
0xbb: {  	_ =	strace $0x90000048  }
0xbc: {  	_ =	sfence  }
0xbd: {  	s30 =	sld [smem:$0x0];
	_ =	sdelay $0x2  }
0xbe: {  	s31 =	sshll.u32 s1, $0xD;
	s1 =	sshrl.u32 s1, $0x2  }
0xbf: {  	s3 =	sand.u32 $0x4000, s31;
	s1 =	sadd.s32 s1, s30  }
0xc0: {  	s0 =	sor.u32 s3, s0;
	s1 =	sshll.u32 s1, $0x11  }
0xc1: {  	s0 =	sor.u32 s1, s0  }
0xc2: {  	s0 =	sadd.s32 $0x8F2B, s0  }
0xc3: {  	[sflag:s0] =	ssyncadd.remote.s32 $0x1  }
0xc4: {  	_ =	sfence.sel $0xFFFF  }
0xc5: {  	[dreg:$0x0] =	wrdreg $0xFFFFFFFF;
	(pc) =	sbr.abs _section_cstart, $3  }
0xc6: {  	[dreg:$0x1] =	wrdreg $0xFFFFFFFF  }
0xc7: {  	_ =	task.clear_ibuf [dreg:s7], $0x2FFFF;
	_ =	strace $0x9FFFFFFF  }
0xc8: {  	(tm) =	ssettm $0x7FFFFFFF  }
0xc9: {  	_ =	shalt  }
tec
execute0_lowered:
.L_overlay_start_1:
0x0: {  	(tag) =	ssettag $0x1  }
0x1: {  	s2 =	rddreg [dreg:$0x0]  }
0x2: {  	s7 =	rddreg [dreg:$0x1]  }
0x3: {  	s0 =	rddreg [dreg:$0x2]  }
0x4: {  	s1 =	srdreg.scid;
	_ =	strace $0x80000047;
	s4 =	simm.s32 $0x1  }
0x5: {  	s9 =	simm.s32 $0x3;
	s12 =	simm.s32 $0x0;
	s5 =	sshll.u32 s1, $0x4  }
.Ltmp0:
0x6: {  	s1 =	stileid.u32;
	s5 =	sand.u32 $0x10, s5;
	(pc) =	sbr.rel .LBB2_1-.Ltmp0, $4  }
0x7: {  	s10 =	simm.s32 $0x0;
	s3 =	sadd.s32 $0x200, s7;
	s6 =	sor.u32 s1, s5  }
0x8: {  	[sflag:s4] =	ssyncpa.u1 $0x0;
	s5 =	simm.s32 $0x2;
	s6 =	sshll.u32 s6, $0x8  }
0x9: {  	s7 =	sadd.s32 $0x600, s7;
	[sflag:s5] =	ssyncpa.u1 $0x0;
	s8 =	sadd.s32 $0x100, s6  }
0xa: {  	vm0 =	vmmov $0xff;
	vm1 =	vcmask $0x3F20;
	[sflag:s9] =	ssyncpa.u1 $0x0;
	s9 =	simm.s32 $0x100;
	s11 =	smov.u32 s6  }
.LBB2_9:
0xb: {  	p0 =	seq.s32 s10, $0x2  }
.Ltmp1:
0xc: {  	_ = 	snop;
	(pc) =	sbr.rel @p0 .LBB2_11-.Ltmp1, $1  }
0xd: {  	_ =	sdelay $0x3  }
.LBB2_10:
0xe: {  	s12 =	sadd.s32 $0x100, s11  }
0xf: {  	s13 =	smov.u32 s6;
	p0 =	slt.s32 s12, s8  }
0x10: {  	s13 =	smov.u32 @p0 s12  }
0x11: {  	s10 =	sadd.s32 $0x1, s10;
	s12 =	smov.u32 s11;
	s11 =	smov.u32 s13  }
.LBB2_1:
0x12: {  	p0 =	sne.s32 s10, $0x0  }
.Ltmp2:
0x13: {  	_ = 	snop;
	(pc) =	sbr.rel @!p0 .LBB2_2-.Ltmp2, $1  }
0x14: {  	_ =	sdelay $0x3  }
0x15: {  	s13 =	sand.u32 $0x1, s10  }
0x16: {  	p0 =	seq.s32 s13, $0x0  }
.Ltmp3:
0x17: {  	_ = 	snop;
	(pc) =	sbr.rel @p0 .LBB2_9-.Ltmp3, $1  }
0x18: {  	_ =	sdelay $0x3  }
0x19: {  	_ =	swait.ge [sflag:s5], $0x100  }
0x1a: {  	[sflag:s5] =	ssyncset.done $0x0  }
0x1b: {  	s13 =	simm.s32 $0x0;
	[sflag:s5] =	ssyncadd.s32 $0xFFFFFF00  }
0x1c: {  	v0 =	vld.msk [tilespmem:s13+$0x100 ss:$0x1], $0xffff;
	_ =	sdelay $0x4  }
0x1d: {  	v1 =	vshll.u32 v0, $0x4  }
0x1e: {  	vm2 =	veq.s32 v0, $0x80000000;
	v0 =	vshll.u32 v0, $0x12;
	v1 =	vand.u32 $0x3FF80, v1  }
0x1f: {  	v0 =	vand.u32 $0x1C0000, v0;
	v1 =	vsel vm2, $0xFFFFFF80, v1  }
0x20: {  	v0 =	vsel vm2, $0xFFFC0000, v0;
	v2 =	vand.u32 $0xFFFFFC00, v1  }
0x21: {  	v1 =	vand.u32 $0x380, v1;
	v0 =	vadd.s32 v0, v2  }
0x22: {  	v0 =	vor.u32 v1, v0  }
0x23: {  	v0 =	vshrl.u32 v0, $0x3;
	_ =	sdelay $0x3  }
0x24: {  	s13 =	simm.s32 $0x8200  }
0x25: {  	[tilespmem:s13], [sflag:$0x1] =	stream.indirect_vreg.gather [hbm:s2], $0x80, v0, vm0, $0x38;
	[tilespmem:$0x10200] =	vst v63  }
0x26: {  	s14 =	simm.s32 $0x8600;
	s31 =	simm.s32 $0x10  }
0x27: {  	[tilespmem:s14], [sflag:$0x1] =	stream.indirect_vreg.gather [hbm:s2], $0x80, v0, vm1, $0x38;
	[tilespmem:$0x10200] =	vst v63  }
0x28: {  	s14 =	simm.s32 $0x80;
	v0 =	vld.msk [tilespmem:s31+$0x100 ss:$0x1], $0xffff  }
.LBB2_5:
0x29: {  	p0 =	sne.s32 s14, $0x3C0;
	_ =	sdelay $0x4  }
0x2a: {  	v1 =	vshll.u32 v0, $0x4  }
0x2b: {  	vm2 =	veq.s32 v0, $0x80000000;
	v0 =	vshll.u32 v0, $0x12;
	v1 =	vand.u32 $0x3FF80, v1  }
0x2c: {  	v0 =	vand.u32 $0x1C0000, v0;
	v1 =	vsel vm2, $0xFFFFFF80, v1  }
0x2d: {  	v0 =	vsel vm2, $0xFFFC0000, v0;
	v2 =	vand.u32 $0xFFFFFC00, v1  }
0x2e: {  	v1 =	vand.u32 $0x380, v1;
	v0 =	vadd.s32 v0, v2  }
0x2f: {  	v0 =	vor.u32 v1, v0  }
0x30: {  	v0 =	vshrl.u32 v0, $0x3;
	_ =	sdelay $0x3  }
.Ltmp4:
0x31: {  	s13 =	sadd.s32 $0x800, s13;
	(pc) =	sbr.rel @p0 .LBB2_5-.Ltmp4, $4  }
0x32: {  	[tilespmem:s13], [sflag:$0x1] =	stream.indirect_vreg.gather [hbm:s2], $0x80, v0, vm0, $0x38;
	[tilespmem:$0x10200] =	vst v63  }
0x33: {  	s15 =	sshra.s32 s14, $0x2;
	s16 =	sadd.s32 $0x400, s13  }
0x34: {  	[tilespmem:s16], [sflag:$0x1] =	stream.indirect_vreg.gather [hbm:s2], $0x80, v0, vm1, $0x38;
	[tilespmem:$0x10200] =	vst v63  }
0x35: {  	s14 =	sadd.s32 $0x40, s14;
	v0 =	vld.msk [tilespmem:s15+$0x100 ss:$0x1], $0xffff  }
0x36: {  	_ =	sdelay $0x3  }
0x37: {  	v1 =	vshll.u32 v0, $0x4  }
0x38: {  	vm2 =	veq.s32 v0, $0x80000000;
	v63 =	vshll.u32 v0, $0x12;
	v1 =	vand.u32 $0x3FF80, v1  }
0x39: {  	v0 =	vand.u32 $0x1C0000, v63;
	v1 =	vsel vm2, $0xFFFFFF80, v1  }
0x3a: {  	v0 =	vsel vm2, $0xFFFC0000, v0;
	v2 =	vand.u32 $0xFFFFFC00, v1  }
0x3b: {  	v1 =	vand.u32 $0x380, v1;
	v0 =	vadd.s32 v0, v2  }
0x3c: {  	v0 =	vor.u32 v1, v0  }
0x3d: {  	v0 =	vshrl.u32 v0, $0x3;
	_ =	sdelay $0x3  }
0x3e: {  	s13 =	sadd.s32 $0x800, s13  }
0x3f: {  	[tilespmem:s13], [sflag:$0x1] =	stream.indirect_vreg.gather [hbm:s2], $0x80, v0, vm0, $0x38;
	[tilespmem:$0x10200] =	vst v63  }
0x40: {  	s13 =	sadd.s32 $0x400, s13  }
0x41: {  	[tilespmem:s13], [sflag:$0x1] =	stream.indirect_vreg.gather [hbm:s2], $0x80, v0, vm1, $0x38;
	[tilespmem:$0x10200] =	vst v63  }
0x42: {  	s12 =	sshll.u32 s12, $0x4;
	s14 =	simm.s32 $0x80;
	_ =	swait.ge [sflag:s4], $0x8000  }
0x43: {  	s15 =	simm.s32 $0x8600;
	s12 =	sadd.s32 s12, s7;
	[sflag:s4] =	ssyncset.done $0x0  }
0x44: {  	s16 =	sadd.s32 $0x0, s12;
	s13 =	simm.s32 $0x8200;
	[sflag:s4] =	ssyncadd.s32 $0xFFFF8000  }
.LBB2_7:
0x45: {  	[hbm:s16] =	stream.linear.scatter [tilespmem:s13], [sflag:$0x3], $0x400, $0x38;
	[tilespmem:$0x10200] =	vst v63  }
0x46: {  	s16 =	smov.u32 s14;
	s13 =	smov.u32 s15;
	p0 =	sne.s32 s14, $0xF80  }
.Ltmp5:
0x47: {  	s14 =	sadd.s32 $0x80, s14;
	(pc) =	sbr.rel @p0 .LBB2_7-.Ltmp5, $2  }
0x48: {  	_ =	sdelay $0x2  }
0x49: {  	s15 =	sadd.s32 $0x400, s15;
	s16 =	sadd.s32 s16, s12  }
.Ltmp6:
0x4a: {  	(pc) =	sbr.rel .LBB2_9-.Ltmp6, $2  }
0x4b: {  	_ =	sdelay $0x2  }
0x4c: {  	[hbm:s16] =	stream.linear.scatter [tilespmem:s13], [sflag:$0x3], $0x400, $0x38;
	[tilespmem:$0x10200] =	vst v63  }
.LBB2_2:
.Ltmp7:
0x4d: {  	(pc) =	sbr.rel .LBB2_10-.Ltmp7, $4  }
0x4e: {  	_ = 	snop  }
0x4f: {  	s12 =	sshrl.u32 s11, $0x3  }
0x50: {  	s13 =	sand.u32 $0x7, s11;
	s12 =	sadd.s32 s3, s12  }
0x51: {  	[tilespmem:s9], [sflag:$0x2] =	stream.linear.gather [hbm4b:s12+s13], $0x100, $0x38;
	[tilespmem:$0x10200] =	vst v63  }
.LBB2_11:
0x52: {  	s2 =	simm.s32 $0x3  }
0x53: {  	_ =	swait.ge [sflag:s2], $0x8000  }
0x54: {  	[sflag:s2] =	ssyncset.done $0x0  }
0x55: {  	[sflag:s2] =	ssyncadd.s32 $0xFFFF8000  }
0x56: {  	_ =	sfence.sel $0x180000  }
0x57: {  	s3 =	simm.s32 $0x2;
	[bflag:$0x0] =	sbarrier.arrive $0xFFFF  }
0x58: {  	[sflag:s3] =	ssyncpa.u1 $0x1  }
0x59: {  	s31 =	simm.s32 $0x1;
	[sflag:s2] =	ssyncpa.u1 $0x1  }
0x5a: {  	[sflag:s31] =	ssyncpa.u1 $0x1  }
0x5b: {  	p0 =	sne.s32 s1, $0x0;
	_ =	strace $0x90000047  }
0x5c: {  	s0 =	sadd.s32 @!p0 $0x100000, s0;
	[bflag:$0x2] =	sbarrier.arrive $0xFFFF  }
0x5d: {  	[sflag:s0] =	ssyncadd.tile.s32 @!p0 $0x1;
	_ =	shalt  }
.Lfunc_end2:
_tile_overlayer_lowered:
.L_overlay_start_2:
0x5e: {  	(tag) =	ssettag $0x2  }
0x5f: {  	s0 =	rddreg [dreg:$0x0];
	s2 =	stileid.u32  }
0x60: {  	s1 =	rddreg [dreg:$0x1];
	p0 =	sne.s32 s2, $0x0  }
0x61: {  	s3 =	rddreg [dreg:$0x2];
	[bflag:$0x3] =	sbarrier.arrive $0xFFFF;
	s2 =	simm.s32 @!p0 $0x1C01  }
0x62: {  	[timem:s3], [sflag:s2] =	dma.local @!p0 [hbm:s0], s1  }
0x63: {  	s0 =	simm.s32 @!p0 $0x1  }
0x64: {  	_ =	swait.ge @!p0 [sflag:s0], s1  }
0x65: {  	s1 =	ssub.s32 @!p0 $0x0, s1;
	[sflag:s0] =	ssyncset.done @!p0 $0x0  }
0x66: {  	[sflag:s0] =	ssyncadd.s32 @!p0 s1  }
0x67: {  	[bflag:$0x3] =	sbarrier.arrive $0xFFFF  }
0x68: {  	_ =	shalt  }

// kernel: sparse-core-data-format-call.1.cloned.1.call-start
scs
called_computation.1_lowered:
.L_overlay_start_0:
0x0: {  	s2 =	sld [smem:$0x3FD9]  }
0x1: {  	s3 =	sld [smem:$0x3FFE];
	_ =	sdelay $0x1  }
0x2: {  	s1 =	srdreg.scid  }
0x3: {  	s0 =	sand.u32 $0x1, s1  }
0x4: {  	s18 =	sshll.u32 s0, $0xA;
	s2 =	sadd.s32 s3, s2  }
0x5: {  	s2 =	sadd.s32 s2, s18  }
0x6: {  	[smem:$0x3FA8] =	sst s2  }
0x7: {  	_ = 	snop  }
0x8: {  	(tm) =	ssettm $0x1  }
0x9: {  	s19 =	sld [smem:$0x3FFB];
	_ =	sdelay $0x3  }
0xa: {  	_ =	strace s19  }
0xb: {  	s2 =	sld [smem:$0x3FFC];
	_ =	sdelay $0x3  }
0xc: {  	_ =	strace s2  }
0xd: {  	s2 =	sld [smem:$0x3FFD];
	_ =	sdelay $0x3  }
0xe: {  	_ =	strace s2  }
0xf: {  	_ =	strace $0x8FFFFFFF  }
0x10: {  	s20 =	sld [smem:$0x3FDB];
	_ =	sdelay $0x1  }
0x11: {  	s21 =	simm.s32 $_scs_section_size  }
0x12: {  	s4 =	simm.s32 $_size__tile_overlayer_lowered;
	s5 =	simm.s32 $_tile_overlayer_lowered  }
0x13: {  	s6 =	simm.s32 $0x1BFF;
	s22 =	sshll.u32 s5, $0x1;
	s3 =	sadd.s32 s21, s20  }
0x14: {  	s23 =	simm.s32 $0x0;
	s4 =	sshll.u32 s4, $0x1;
	s5 =	sadd.s32 s22, s3  }
0x15: {  	[timem:s23], [sflag:s6] =	dma.local [hbm:s5], s4  }
0x16: {  	_ =	swait.ge [sflag:s6], s4  }
0x17: {  	s4 =	ssub.s32 $0x0, s4;
	[sflag:s6] =	ssyncset.done $0x0  }
0x18: {  	[sflag:s6] =	ssyncadd.s32 s4;
	_ =	sdelay $0x1  }
0x19: {  	s24 =	simm.s32 $0x1B8B  }
0x1a: {  	_ =	swait.ge [sflag:s24], $0x1  }
0x1b: {  	[sflag:s24] =	ssyncset.done $0x0  }
0x1c: {  	[sflag:s24] =	ssyncadd.s32 $0xFFFFFFFF  }
0x1d: {  	s4 =	sld [smem:$0x0]  }
0x1e: {  	s5 =	sand.u32 $0xFFFFFFFE, s1  }
0x1f: {  	p0 =	sne.s32 s1, s5  }
0x20: {  	s5 =	sshll.u32 @p0 s5, $0xE  }
0x21: {  	s5 =	sadd.s32 @p0 $0x11B8D, s5;
	s6 =	sshll.u32 @p0 s4, $0x11  }
0x22: {  	s5 =	sor.u32 @p0 s6, s5  }
0x23: {  	[sflag:s5] =	ssyncadd.remote.s32 @p0 $0x1;
	_ =	sdelay $0x1  }
0x24: {  	s5 =	simm.s32 @p0 $0x1B8D  }
0x25: {  	_ =	swait.eq @p0 [sflag:s5], $0x1  }
0x26: {  	[sflag:s5] =	ssyncadd.s32 @p0 $0xFFFFFFFF  }
0x27: {  	s6 =	sshll.u32 @!p0 s1, $0xE  }
0x28: {  	s6 =	sor.u32 @!p0 $0x4000, s6;
	s5 =	simm.s32 @!p0 $0x1B8D  }
0x29: {  	s4 =	sshll.u32 @!p0 s4, $0x11;
	s6 =	sadd.s32 @!p0 $0x11B8D, s6;
	_ =	swait.eq @!p0 [sflag:s5], $0x1  }
0x2a: {  	s4 =	sor.u32 @!p0 s4, s6;
	[sflag:s5] =	ssyncadd.s32 @!p0 $0xFFFFFFFF  }
0x2b: {  	s26 =	simm.s32 $0x1B8E;
	s25 =	sld [smem:$0x3FFE];
	[sflag:s4] =	ssyncadd.remote.s32 @!p0 $0x1  }
0x2c: {  	s27 =	simm.s32 $execute0_lowered;
	[smem:$0x3FD2] =	sst s26  }
0x2d: {  	s5 =	sshll.u32 s27, $0x1;
	_ =	strace $0x8000005E;
	[dreg:$0x1] =	wrdreg $0xFFFFFFFF  }
0x2e: {  	s28 =	simm.s32 $_size_execute0_lowered;
	s3 =	sadd.s32 s3, s5;
	[dreg:$0x0] =	wrdreg $0x0  }
0x2f: {  	s5 =	sshll.u32 s28, $0x1;
	[dreg:$0x2] =	wrdreg s3  }
0x30: {  	[dreg:$0x3] =	wrdreg s5  }
0x31: {  	[dreg:$0x4] =	wrdreg $0xC0  }
0x32: {  	_ =	task [dreg:s23], $0x5FFFF  }
0x33: {  	[dreg:$0x1] =	wrdreg $0xFFFFFFFF  }
0x34: {  	[dreg:$0x0] =	wrdreg $0x60  }
0x35: {  	[dreg:$0x2] =	wrdreg s25  }
0x36: {  	[dreg:$0x3] =	wrdreg $0x9  }
0x37: {  	_ =	task.clear_ibuf [dreg:s23], $0x4FFFF;
	_ =	strace $0x9000005E  }
0x38: {  	s29 =	simm.s32 $0x9;
	_ =	strace $0x80000060  }
0x39: {  	_ =	swait.ge [sflag:s29], $0x1  }
0x3a: {  	[sflag:s29] =	ssyncadd.s32 $0xFFFFFFFF  }
0x3b: {  	_ =	strace $0x90000060  }
0x3c: {  	_ =	sfence  }
0x3d: {  	s30 =	sld [smem:$0x0];
	_ =	sdelay $0x2  }
0x3e: {  	s31 =	sshll.u32 s1, $0xD;
	s1 =	sshrl.u32 s1, $0x2  }
0x3f: {  	s4 =	sand.u32 $0x4000, s31;
	s1 =	sadd.s32 s1, s30  }
0x40: {  	s0 =	sor.u32 s4, s0;
	s1 =	sshll.u32 s1, $0x11  }
0x41: {  	s0 =	sor.u32 s1, s0  }
0x42: {  	s0 =	sadd.s32 $0x8F2B, s0  }
0x43: {  	[sflag:s0] =	ssyncadd.remote.s32 $0x1  }
0x44: {  	_ =	sfence.sel $0xFFFF  }
0x45: {  	[dreg:$0x0] =	wrdreg $0xFFFFFFFF;
	(pc) =	sbr.abs _section_cstart, $3  }
0x46: {  	[dreg:$0x1] =	wrdreg $0xFFFFFFFF  }
0x47: {  	_ =	task.clear_ibuf [dreg:s23], $0x2FFFF;
	_ =	strace $0x9FFFFFFF  }
0x48: {  	(tm) =	ssettm $0x7FFFFFFF  }
0x49: {  	_ =	shalt  }
tec
execute0_lowered:
.L_overlay_start_1:
0x0: {  	(tag) =	ssettag $0x1  }
0x1: {  	s0 =	stileid.u32;
	s1 =	srdreg.scid  }
0x2: {  	s7 =	rddreg [dreg:$0x0];
	s9 =	simm.s32 $0x2;
	s16 =	simm.s32 $0x0  }
0x3: {  	p0 =	por $0x0, $0x0;
	s10 =	simm.s32 $0x400;
	s15 =	simm.s32 $0x0  }
0x4: {  	s17 =	simm.s32 $0x0;
	s2 =	sshll.u32 s0, $0x4;
	s1 =	sshll.u32 s1, $0x1  }
0x5: {  	s14 =	simm.s32 $0x0;
	s2 =	sand.u32 $0x80, s2;
	s3 =	sand.u32 $0x2, s1  }
0x6: {  	s1 =	rddreg [dreg:$0x1];
	_ =	strace $0x8000005F;
	s4 =	ssub.s32 $0x100, s2  }
0x7: {  	s5 =	ssub.s32 $0x40, s3;
	s11 =	smov.u32 s3;
	s6 =	sshrl.u32 s4, $0x8  }
0x8: {  	s4 =	sshrl.u32 s4, $0x7;
	s8 =	sshrl.u32 s5, $0x1;
	s5 =	sshrl.u32 s5, $0x2  }
.Ltmp0:
0x9: {  	s4 =	sand.u32 $0x1, s4;
	s8 =	sand.u32 $0x1, s8;
	(pc) =	sbr.rel .LBB1_1-.Ltmp0, $4  }
0xa: {  	s12 =	smov.u32 s2;
	s6 =	sadd.s32 s6, s4;
	s8 =	sadd.s32 s5, s8  }
0xb: {  	s4 =	sadd.s32 $0xCBE00, s7;
	s5 =	simm.s32 $0x1;
	s6 =	smul.u32 s6, s8  }
0xc: {  	s7 =	sadd.s32 $0x429A00, s7;
	[sflag:s5] =	ssyncpa.u1 $0x0;
	s8 =	sand.u32 $0x7, s0  }
0xd: {  	[sflag:s9] =	ssyncpa.u1 $0x0;
	s13 =	smov.u32 s8;
	s9 =	sadd.s32 $0x1, s6  }
.LBB1_4:
0xe: {  	v11 =	vld [tilespmem:s21+$0xFFFFFFE0];
	v12 =	vcombine.low v6, v7  }
0xf: {  	v3 =	vperm.xlane.i2c.b16 v3;
	[tilespmem:s23+$0x3870 ss:$0x81] =	vst.msk $0xffff, v9;
	v45 =	vld [tilespmem:s21+$0xFFFFFFF0];
	v4 =	vperm.xlane.i2c.b16 v4  }
0x10: {  	v46 =	vcombine.high v6, v7;
	[tilespmem:s20+$0x2040 ss:$0x81] =	vst.msk $0xffff, v10;
	v47 =	vld [tilespmem:s21+$0x0];
	v5 =	vperm.xlane.i2c.b16 v5  }
0x11: {  	v49 =	vld [tilespmem:s21+$0x10];
	v1 =	vperm.xlane.i2c.b16 v1;
	[tilespmem:s23+$0x810 ss:$0x81] =	vst.msk $0xffff, v12;
	v48 =	vcombine.low v8, v3  }
0x12: {  	v51 =	vld [tilespmem:s21+$0xFFFFFFC0];
	v58 =	vperm.xlane.i2c.b16 v2;
	v50 =	vcombine.low v4, v0;
	[tilespmem:s23+$0x2850 ss:$0x81] =	vst.msk $0xffff, v46  }
0x13: {  	s27 =	sshra.s32 s22, $0x2;
	v3 =	vcombine.high v8, v3;
	v52 =	vcombine.low v1, v5;
	[tilespmem:s23+$0x1020 ss:$0x81] =	vst.msk $0xffff, v48  }
0x14: {  	s18 =	sadd.s32 s27, s18;
	v1 =	vcombine.high v1, v5;
	v55 =	vcombine.high v4, v0;
	[tilespmem:s23+$0x0 ss:$0x81] =	vst.msk $0xffff, v50  }
0x15: {  	[tilespmem:s18+$0x1830 ss:$0x81] =	vst.msk $0xffff, v52;
	v11 =	vperm.xlane.i2c.b16 v11;
	v53 =	vperm.xlane.i2c.b16 v45  }
0x16: {  	[tilespmem:s23+$0x3060 ss:$0x81] =	vst.msk $0xffff, v3;
	v54 =	vperm.xlane.i2c.b16 v47;
	v57 =	vperm.xlane.i2c.b16 v49  }
0x17: {  	[tilespmem:s18+$0x3870 ss:$0x81] =	vst.msk $0xffff, v1;
	v60 =	vperm.xlane.i2c.b16 v51;
	v56 =	vcombine.low v11, v53  }
0x18: {  	[tilespmem:s23+$0x2040 ss:$0x81] =	vst.msk $0xffff, v55;
	v61 =	vcombine.low v54, v57  }
0x19: {  	v63 =	vcombine.low v60, v58;
	[tilespmem:s18+$0x810 ss:$0x81] =	vst.msk $0xffff, v56  }
0x1a: {  	s17 =	sshll.u32 s17, $0x11;
	s28 =	sshrl.u32 s15, $0x1;
	v59 =	vcombine.high v11, v53;
	[tilespmem:s18+$0x1020 ss:$0x81] =	vst.msk $0xffff, v61  }
0x1b: {  	s16 =	sshll.u32 s16, $0xB;
	s29 =	sshrl.u32 s15, $0x3;
	s17 =	sadd.s32 s7, s17;
	v62 =	vcombine.high v54, v57;
	[tilespmem:s18+$0x0 ss:$0x81] =	vst.msk $0xffff, v63  }
0x1c: {  	s30 =	sand.u32 $0x7, s15;
	s20 =	sand.u32 $0x7C0, s28;
	s16 =	sadd.s32 s16, s17;
	v0 =	vcombine.high v60, v58;
	[tilespmem:s18+$0x2850 ss:$0x81] =	vst.msk $0xffff, v59  }
0x1d: {  	s31 =	sand.u32 $0xF, s29;
	s15 =	sshll.u32 s30, $0x12;
	s16 =	sadd.s32 s20, s16;
	[tilespmem:s18+$0x3060 ss:$0x81] =	vst.msk $0xffff, v62  }
0x1e: {  	s15 =	sor.u32 $0x200, s15;
	s16 =	sadd.s32 s31, s16;
	[tilespmem:s18+$0x2040 ss:$0x81] =	vst.msk $0xffff, v0  }
0x1f: {  	[hbm4b:s16+s15] =	stream.strided.scatter [tilespmem:s19], [sflag:$0x2], $0x4000, s10, s15, $0x20;
	[tilespmem:$0x10100] =	vst v63  }
.LBB1_5:
0x20: {  	s18 =	sadd.s32 $0x4, s11  }
0x21: {  	s15 =	sadd.s32 $0x100, s12;
	s19 =	smov.u32 s12;
	p2 =	sgt.s32 s18, $0x3F  }
0x22: {  	s19 =	smov.u32 @p2 s15  }
0x23: {  	s21 =	smov.u32 s13;
	s15 =	sadd.s32 $0x8, s13;
	p3 =	sgt.s32 s19, $0xFF  }
0x24: {  	s21 =	smov.u32 @p3 s15  }
0x25: {  	s18 =	smov.u32 @p2 s3;
	p2 =	sgt.s32 s21, $0x7  }
0x26: {  	p1 =	slt.u32 s14, $0x2;
	s21 =	smov.u32 @p2 s8;
	p2 =	sne.s32 s14, s9  }
.Ltmp1:
0x27: {  	s20 =	simm.s32 @!p1 $0x2;
	(pc) =	sbr.rel @!p2 .LBB1_6-.Ltmp1, $4  }
0x28: {  	s16 =	smov.u32 s11;
	s17 =	smov.u32 s13;
	_ =	swait.ge @!p1 [sflag:s20], $0x4000  }
0x29: {  	p0 =	por !p0, !p0;
	[sflag:s20] =	ssyncset.done @!p1 $0x0;
	s11 =	smov.u32 s18  }
0x2a: {  	s19 =	smov.u32 @p3 s2;
	s15 =	smov.u32 s12;
	[sflag:s20] =	ssyncadd.s32 @!p1 $0xFFFFC000  }
0x2b: {  	s12 =	smov.u32 s19;
	s14 =	sadd.s32 $0x1, s14;
	s13 =	smov.u32 s21  }
.LBB1_1:
0x2c: {  	p1 =	sge.u32 s14, s6;
	s31 =	sadd.s32 $0xFFFFFFFF, s14  }
0x2d: {  	s18 =	sshll.u32 @!p1 s13, $0x11;
	s19 =	sshll.u32 @!p1 s12, $0x9;
	s20 =	sshll.u32 @!p1 s11, $0x3  }
0x2e: {  	s21 =	sxor.u32 @!p1 $0xFFFFFFFF, s14;
	s18 =	sadd.s32 @!p1 s4, s18;
	s20 =	sand.u32 @!p1 $0x1F0, s20  }
0x2f: {  	s18 =	sadd.s32 @!p1 s19, s18;
	s19 =	sshll.u32 @!p1 s21, $0xE;
	s21 =	simm.s32 @!p1 $0x1000  }
0x30: {  	s18 =	sadd.s32 @!p1 s20, s18;
	s19 =	sand.u32 @!p1 $0x4000, s19;
	s20 =	simm.s32 @!p1 $0x80  }
0x31: {  	[tilespmem:s19], [sflag:$0x1] =	stream.strided.gather @!p1 [hbm4b:s18+s20], $0x4000, s21, s20, $0x38;
	[tilespmem:$0x10100] =	vst v63  }
0x32: {  	p1 =	sge.u32 s31, s6  }
.Ltmp2:
0x33: {  	_ = 	snop;
	(pc) =	sbr.rel @p1 .LBB1_5-.Ltmp2, $1  }
0x34: {  	_ =	sdelay $0x3  }
0x35: {  	s18 =	simm.s32 $0x1  }
0x36: {  	_ =	swait.ge [sflag:s5], $0x4000;
	s18 =	simm.s32 @!p0 $0x0  }
0x37: {  	[sflag:s5] =	ssyncset.done $0x0;
	s19 =	sshll.u32 s18, $0xE  }
0x38: {  	[sflag:s5] =	ssyncadd.s32 $0xFFFFC000;
	s19 =	sor.u32 $0x40, s19  }
0x39: {  	v0 =	vld [tilespmem:s19+$0x20]  }
0x3a: {  	v1 =	vld [tilespmem:s19+$0x30]  }
0x3b: {  	v2 =	vld [tilespmem:s19+$0xFFFFFFD0]  }
0x3c: {  	v3 =	vld [tilespmem:s19+$0xFFFFFFE0]  }
0x3d: {  	v4 =	vld [tilespmem:s19+$0xFFFFFFF0]  }
0x3e: {  	v5 =	vld [tilespmem:s19+$0x0]  }
0x3f: {  	v6 =	vld [tilespmem:s19+$0x10]  }
0x40: {  	v7 =	vld [tilespmem:s19+$0xFFFFFFC0]  }
0x41: {  	s18 =	smul.u32 $0x10200, s18;
	v1 =	vperm.xlane.i2c.b16 v1;
	v0 =	vperm.xlane.i2c.b16 v0  }
0x42: {  	s19 =	sadd.s32 $0x80, s19;
	v10 =	vperm.xlane.i2c.b16 v2;
	v3 =	vperm.xlane.i2c.b16 v3  }
0x43: {  	s18 =	sshrl.u32 s18, $0x2;
	v9 =	vld [tilespmem:s19+$0x30];
	v4 =	vperm.xlane.i2c.b16 v4;
	v5 =	vperm.xlane.i2c.b16 v5  }
0x44: {  	s18 =	sor.u32 $0x8000, s18;
	v2 =	vld [tilespmem:s19+$0x20];
	v6 =	vperm.xlane.i2c.b16 v6;
	v8 =	vcombine.low v0, v1  }
0x45: {  	v12 =	vld [tilespmem:s19+$0xFFFFFFF0];
	s20 =	sadd.s32 $0x0, s18;
	v13 =	vperm.xlane.i2c.b16 v7;
	v11 =	vcombine.low v3, v4  }
0x46: {  	v0 =	vcombine.high v0, v1;
	v1 =	vld [tilespmem:s19+$0xFFFFFFD0];
	v7 =	vcombine.low v5, v6;
	[tilespmem:s20+$0x1830 ss:$0x81] =	vst.msk $0xffff, v8  }
0x47: {  	v8 =	vld [tilespmem:s19+$0xFFFFFFE0];
	[tilespmem:s20+$0x810 ss:$0x81] =	vst.msk $0xffff, v11  }
0x48: {  	v14 =	vld [tilespmem:s19+$0x0];
	v9 =	vperm.xlane.i2c.b16 v9;
	v5 =	vcombine.high v5, v6;
	[tilespmem:s20+$0x1020 ss:$0x81] =	vst.msk $0xffff, v7  }
0x49: {  	s21 =	sand.u32 $0x1, s14;
	[tilespmem:s20+$0x3870 ss:$0x81] =	vst.msk $0xffff, v0;
	v0 =	vcombine.high v3, v4;
	v3 =	vld [tilespmem:s19+$0x10];
	v2 =	vperm.xlane.i2c.b16 v2  }
0x4a: {  	s22 =	smul.u32 $0x10200, s21;
	s21 =	sadd.s32 $0x80, s19;
	v11 =	vcombine.low v13, v10;
	v7 =	vperm.xlane.i2c.b16 v12;
	v4 =	vld [tilespmem:s19+$0xFFFFFFC0];
	[tilespmem:s20+$0x3060 ss:$0x81] =	vst.msk $0xffff, v5  }
0x4b: {  	v5 =	vld [tilespmem:s21+$0x30];
	[tilespmem:s20+$0x2850 ss:$0x81] =	vst.msk $0xffff, v0;
	v0 =	vperm.xlane.i2c.b16 v1;
	v15 =	vcombine.low v2, v9  }
0x4c: {  	s31 =	sshrl.u32 s22, $0x2;
	s23 =	sadd.s32 $0x1, s18;
	[tilespmem:s20+$0x0 ss:$0x81] =	vst.msk $0xffff, v11;
	v1 =	vld [tilespmem:s21+$0x20];
	v9 =	vcombine.high v2, v9;
	v6 =	vperm.xlane.i2c.b16 v8  }
0x4d: {  	s24 =	simm.s32 $0xC;
	s22 =	simm.s32 $0x8;
	v10 =	vcombine.high v13, v10;
	s19 =	sor.u32 $0x8000, s31;
	v2 =	vld [tilespmem:s21+$0xFFFFFFD0];
	v8 =	vperm.xlane.i2c.b16 v14;
	[tilespmem:s23+$0x1830 ss:$0x81] =	vst.msk $0xffff, v15  }
.LBB1_3:
0x4e: {  	p1 =	sne.s32 s24, $0x1FC;
	v11 =	vld [tilespmem:s21+$0xFFFFFFE0];
	v12 =	vcombine.low v6, v7;
	v3 =	vperm.xlane.i2c.b16 v3;
	[tilespmem:s23+$0x3870 ss:$0x81] =	vst.msk $0xffff, v9  }
0x4f: {  	v13 =	vperm.xlane.i2c.b16 v4;
	v4 =	vcombine.high v6, v7;
	v9 =	vld [tilespmem:s21+$0xFFFFFFF0];
	[tilespmem:s20+$0x2040 ss:$0x81] =	vst.msk $0xffff, v10;
	s20 =	smov.u32 s23  }
0x50: {  	v10 =	vld [tilespmem:s21+$0x0];
	[tilespmem:s20+$0x810 ss:$0x81] =	vst.msk $0xffff, v12;
	v6 =	vcombine.low v8, v3;
	v7 =	vcombine.high v8, v3  }
.Ltmp3:
0x51: {  	v8 =	vperm.xlane.i2c.b16 v5;
	v12 =	vperm.xlane.i2c.b16 v1;
	v3 =	vld [tilespmem:s21+$0x10];
	[tilespmem:s20+$0x2850 ss:$0x81] =	vst.msk $0xffff, v4;
	(pc) =	sbr.rel @p1 .LBB1_3-.Ltmp3, $4  }
0x52: {  	v14 =	vperm.xlane.i2c.b16 v2;
	v2 =	vcombine.low v13, v0;
	v4 =	vld [tilespmem:s21+$0xFFFFFFC0];
	s21 =	sadd.s32 $0x80, s21;
	[tilespmem:s20+$0x1020 ss:$0x81] =	vst.msk $0xffff, v6  }
0x53: {  	s23 =	sshra.s32 s22, $0x2;
	s22 =	smov.u32 s24;
	v1 =	vld [tilespmem:s21+$0x20];
	v6 =	vperm.xlane.i2c.b16 v11;
	v11 =	vcombine.low v12, v8;
	[tilespmem:s20+$0x3060 ss:$0x81] =	vst.msk $0xffff, v7  }
0x54: {  	s23 =	sadd.s32 s23, s18;
	v5 =	vld [tilespmem:s21+$0x30];
	v7 =	vperm.xlane.i2c.b16 v9;
	v9 =	vcombine.high v12, v8;
	[tilespmem:s20+$0x0 ss:$0x81] =	vst.msk $0xffff, v2  }
0x55: {  	s24 =	sadd.s32 $0x4, s24;
	v2 =	vld [tilespmem:s21+$0xFFFFFFD0];
	v8 =	vperm.xlane.i2c.b16 v10;
	[tilespmem:s23+$0x1830 ss:$0x81] =	vst.msk $0xffff, v11;
	v10 =	vcombine.high v13, v0;
	v0 =	vmov v14  }
.Ltmp4:
0x56: {  	_ = 	snop;
	(pc) =	sbr.rel .LBB1_4-.Ltmp4, $1  }
0x57: {  	_ =	sdelay $0x3  }
.LBB1_6:
0x58: {  	_ =	sfence.sel $0x180000  }
0x59: {  	s2 =	simm.s32 $0x1;
	[bflag:$0x0] =	sbarrier.arrive $0xFFFF  }
0x5a: {  	s31 =	simm.s32 $0x2;
	[sflag:s2] =	ssyncpa.u1 $0x1  }
0x5b: {  	[sflag:s31] =	ssyncpa.u1 $0x1  }
0x5c: {  	p0 =	sne.s32 s0, $0x0;
	_ =	strace $0x9000005F  }
0x5d: {  	s0 =	sadd.s32 @!p0 $0x100000, s1;
	[bflag:$0x2] =	sbarrier.arrive $0xFFFF  }
0x5e: {  	[sflag:s0] =	ssyncadd.tile.s32 @!p0 $0x1;
	_ =	shalt  }
.Lfunc_end1:
_tile_overlayer_lowered:
.L_overlay_start_2:
0x5f: {  	(tag) =	ssettag $0x2  }
0x60: {  	s0 =	rddreg [dreg:$0x0];
	s2 =	stileid.u32  }
0x61: {  	s1 =	rddreg [dreg:$0x1];
	p0 =	sne.s32 s2, $0x0  }
0x62: {  	s3 =	rddreg [dreg:$0x2];
	[bflag:$0x3] =	sbarrier.arrive $0xFFFF;
	s2 =	simm.s32 @!p0 $0x1C01  }
0x63: {  	[timem:s3], [sflag:s2] =	dma.local @!p0 [hbm:s0], s1  }
0x64: {  	s0 =	simm.s32 @!p0 $0x1  }
0x65: {  	_ =	swait.ge @!p0 [sflag:s0], s1  }
0x66: {  	s1 =	ssub.s32 @!p0 $0x0, s1;
	[sflag:s0] =	ssyncset.done @!p0 $0x0  }
0x67: {  	[sflag:s0] =	ssyncadd.s32 @!p0 s1  }
0x68: {  	[bflag:$0x3] =	sbarrier.arrive $0xFFFF  }
0x69: {  	_ =	shalt  }

// kernel: sparse-core-data-format-call.2.cloned.1.call-start
scs
called_computation.2_lowered:
.L_overlay_start_0:
0x0: {  	s2 =	sld [smem:$0x3FD9]  }
0x1: {  	s3 =	sld [smem:$0x3FFE];
	_ =	sdelay $0x1  }
0x2: {  	s1 =	srdreg.scid  }
0x3: {  	s0 =	sand.u32 $0x1, s1  }
0x4: {  	s18 =	sshll.u32 s0, $0xA;
	s2 =	sadd.s32 s3, s2  }
0x5: {  	s2 =	sadd.s32 s2, s18  }
0x6: {  	[smem:$0x3FA8] =	sst s2  }
0x7: {  	_ = 	snop  }
0x8: {  	(tm) =	ssettm $0x1  }
0x9: {  	s19 =	sld [smem:$0x3FFB];
	_ =	sdelay $0x3  }
0xa: {  	_ =	strace s19  }
0xb: {  	s2 =	sld [smem:$0x3FFC];
	_ =	sdelay $0x3  }
0xc: {  	_ =	strace s2  }
0xd: {  	s2 =	sld [smem:$0x3FFD];
	_ =	sdelay $0x3  }
0xe: {  	_ =	strace s2  }
0xf: {  	_ =	strace $0x8FFFFFFF  }
0x10: {  	s20 =	sld [smem:$0x3FDB];
	_ =	sdelay $0x1  }
0x11: {  	s21 =	simm.s32 $_scs_section_size  }
0x12: {  	s4 =	simm.s32 $_size__tile_overlayer_lowered;
	s5 =	simm.s32 $_tile_overlayer_lowered  }
0x13: {  	s6 =	simm.s32 $0x1BFF;
	s22 =	sshll.u32 s5, $0x1;
	s3 =	sadd.s32 s21, s20  }
0x14: {  	s23 =	simm.s32 $0x0;
	s4 =	sshll.u32 s4, $0x1;
	s5 =	sadd.s32 s22, s3  }
0x15: {  	[timem:s23], [sflag:s6] =	dma.local [hbm:s5], s4  }
0x16: {  	_ =	swait.ge [sflag:s6], s4  }
0x17: {  	s4 =	ssub.s32 $0x0, s4;
	[sflag:s6] =	ssyncset.done $0x0  }
0x18: {  	[sflag:s6] =	ssyncadd.s32 s4;
	_ =	sdelay $0x1  }
0x19: {  	s24 =	simm.s32 $0x1B8B  }
0x1a: {  	_ =	swait.ge [sflag:s24], $0x1  }
0x1b: {  	[sflag:s24] =	ssyncset.done $0x0  }
0x1c: {  	[sflag:s24] =	ssyncadd.s32 $0xFFFFFFFF  }
0x1d: {  	s4 =	sld [smem:$0x0]  }
0x1e: {  	s5 =	sand.u32 $0xFFFFFFFE, s1  }
0x1f: {  	p0 =	sne.s32 s1, s5  }
0x20: {  	s5 =	sshll.u32 @p0 s5, $0xE  }
0x21: {  	s5 =	sadd.s32 @p0 $0x11B8D, s5;
	s6 =	sshll.u32 @p0 s4, $0x11  }
0x22: {  	s5 =	sor.u32 @p0 s6, s5  }
0x23: {  	[sflag:s5] =	ssyncadd.remote.s32 @p0 $0x1;
	_ =	sdelay $0x1  }
0x24: {  	s5 =	simm.s32 @p0 $0x1B8D  }
0x25: {  	_ =	swait.eq @p0 [sflag:s5], $0x1  }
0x26: {  	[sflag:s5] =	ssyncadd.s32 @p0 $0xFFFFFFFF  }
0x27: {  	s6 =	sshll.u32 @!p0 s1, $0xE  }
0x28: {  	s6 =	sor.u32 @!p0 $0x4000, s6;
	s5 =	simm.s32 @!p0 $0x1B8D  }
0x29: {  	s4 =	sshll.u32 @!p0 s4, $0x11;
	s6 =	sadd.s32 @!p0 $0x11B8D, s6;
	_ =	swait.eq @!p0 [sflag:s5], $0x1  }
0x2a: {  	s4 =	sor.u32 @!p0 s4, s6;
	[sflag:s5] =	ssyncadd.s32 @!p0 $0xFFFFFFFF  }
0x2b: {  	s26 =	simm.s32 $0x1B8E;
	s25 =	sld [smem:$0x3FFE];
	[sflag:s4] =	ssyncadd.remote.s32 @!p0 $0x1  }
0x2c: {  	s27 =	simm.s32 $execute0_lowered;
	[smem:$0x3FD2] =	sst s26  }
0x2d: {  	s5 =	sshll.u32 s27, $0x1;
	_ =	strace $0x80000055;
	[dreg:$0x1] =	wrdreg $0xFFFFFFFF  }
0x2e: {  	s28 =	simm.s32 $_size_execute0_lowered;
	s3 =	sadd.s32 s3, s5;
	[dreg:$0x0] =	wrdreg $0x0  }
0x2f: {  	s5 =	sshll.u32 s28, $0x1;
	[dreg:$0x2] =	wrdreg s3  }
0x30: {  	[dreg:$0x3] =	wrdreg s5  }
0x31: {  	[dreg:$0x4] =	wrdreg $0xC0  }
0x32: {  	_ =	task [dreg:s23], $0x5FFFF  }
0x33: {  	[dreg:$0x1] =	wrdreg $0xFFFFFFFF  }
0x34: {  	[dreg:$0x0] =	wrdreg $0x60  }
0x35: {  	[dreg:$0x2] =	wrdreg s25  }
0x36: {  	[dreg:$0x3] =	wrdreg $0xA  }
0x37: {  	_ =	task.clear_ibuf [dreg:s23], $0x4FFFF;
	_ =	strace $0x90000055  }
0x38: {  	s29 =	simm.s32 $0xA;
	_ =	strace $0x80000057  }
0x39: {  	_ =	swait.ge [sflag:s29], $0x1  }
0x3a: {  	[sflag:s29] =	ssyncadd.s32 $0xFFFFFFFF  }
0x3b: {  	_ =	strace $0x90000057  }
0x3c: {  	_ =	sfence  }
0x3d: {  	s30 =	sld [smem:$0x0];
	_ =	sdelay $0x2  }
0x3e: {  	s31 =	sshll.u32 s1, $0xD;
	s1 =	sshrl.u32 s1, $0x2  }
0x3f: {  	s4 =	sand.u32 $0x4000, s31;
	s1 =	sadd.s32 s1, s30  }
0x40: {  	s0 =	sor.u32 s4, s0;
	s1 =	sshll.u32 s1, $0x11  }
0x41: {  	s0 =	sor.u32 s1, s0  }
0x42: {  	s0 =	sadd.s32 $0x8F2B, s0  }
0x43: {  	[sflag:s0] =	ssyncadd.remote.s32 $0x1  }
0x44: {  	_ =	sfence.sel $0xFFFF  }
0x45: {  	[dreg:$0x0] =	wrdreg $0xFFFFFFFF;
	(pc) =	sbr.abs _section_cstart, $3  }
0x46: {  	[dreg:$0x1] =	wrdreg $0xFFFFFFFF  }
0x47: {  	_ =	task.clear_ibuf [dreg:s23], $0x2FFFF;
	_ =	strace $0x9FFFFFFF  }
0x48: {  	(tm) =	ssettm $0x7FFFFFFF  }
0x49: {  	_ =	shalt  }
tec
execute0_lowered:
.L_overlay_start_1:
0x0: {  	(tag) =	ssettag $0x1  }
0x1: {  	s0 =	stileid.u32;
	s1 =	srdreg.scid  }
0x2: {  	s4 =	rddreg [dreg:$0x0];
	s7 =	simm.s32 $0x1;
	s31 =	simm.s32 $0x2  }
0x3: {  	s15 =	simm.s32 $0x0;
	s2 =	sshll.u32 s0, $0x4;
	s1 =	sshll.u32 s1, $0x8  }
0x4: {  	s9 =	simm.s32 $0x1000;
	s14 =	simm.s32 $0x0;
	s1 =	sor.u32 s2, s1  }
0x5: {  	s16 =	simm.s32 $0x0;
	s10 =	simm.s32 $0x0;
	s2 =	sand.u32 $0x180, s1  }
0x6: {  	s13 =	simm.s32 $0x0;
	s3 =	sadd.s32 $0xC2E200, s4;
	s5 =	ssub.s32 $0x400, s2  }
0x7: {  	s4 =	sadd.s32 $0x102E200, s4;
	s1 =	rddreg [dreg:$0x1];
	s6 =	sand.u32 $0x180, s5  }
.Ltmp0:
0x8: {  	_ =	strace $0x80000056;
	p0 =	sne.s32 s6, $0x0;
	(pc) =	sbr.rel .LBB1_1-.Ltmp0, $4  }
0x9: {  	s11 =	smov.u32 s2;
	s8 =	sshrl.u32 s5, $0x9;
	s7 =	simm.s32 @!p0 $0x0  }
0xa: {  	s5 =	sand.u32 $0x7, s0;
	s6 =	simm.s32 $0x1;
	s7 =	sadd.s32 s7, s8  }
0xb: {  	s12 =	smov.u32 s5;
	[sflag:s6] =	ssyncpa.u1 $0x0;
	s7 =	sshll.u32 s7, $0x5  }
0xc: {  	p0 =	por $0x0, $0x0;
	[sflag:s31] =	ssyncpa.u1 $0x0;
	s8 =	sor.u32 $0x1, s7  }
.LBB1_4:
0xd: {  	v11 =	vld [tilespmem:s20+$0xFFFFFFE0];
	v12 =	vcombine.low v6, v7  }
0xe: {  	v3 =	vperm.xlane.i2c.b16 v3;
	[tilespmem:s22+$0x3870 ss:$0x81] =	vst.msk $0xffff, v9;
	v45 =	vld [tilespmem:s20+$0xFFFFFFF0];
	v4 =	vperm.xlane.i2c.b16 v4  }
0xf: {  	v46 =	vcombine.high v6, v7;
	[tilespmem:s19+$0x2040 ss:$0x81] =	vst.msk $0xffff, v10;
	v47 =	vld [tilespmem:s20+$0x0];
	v5 =	vperm.xlane.i2c.b16 v5  }
0x10: {  	v49 =	vld [tilespmem:s20+$0x10];
	v1 =	vperm.xlane.i2c.b16 v1;
	[tilespmem:s22+$0x810 ss:$0x81] =	vst.msk $0xffff, v12;
	v48 =	vcombine.low v8, v3  }
0x11: {  	v51 =	vld [tilespmem:s20+$0xFFFFFFC0];
	v58 =	vperm.xlane.i2c.b16 v2;
	v50 =	vcombine.low v4, v0;
	[tilespmem:s22+$0x2850 ss:$0x81] =	vst.msk $0xffff, v46  }
0x12: {  	s27 =	sshra.s32 s21, $0x2;
	v3 =	vcombine.high v8, v3;
	v52 =	vcombine.low v1, v5;
	[tilespmem:s22+$0x1020 ss:$0x81] =	vst.msk $0xffff, v48  }
0x13: {  	s17 =	sadd.s32 s27, s17;
	v1 =	vcombine.high v1, v5;
	v55 =	vcombine.high v4, v0;
	[tilespmem:s22+$0x0 ss:$0x81] =	vst.msk $0xffff, v50  }
0x14: {  	[tilespmem:s17+$0x1830 ss:$0x81] =	vst.msk $0xffff, v52;
	v11 =	vperm.xlane.i2c.b16 v11;
	v53 =	vperm.xlane.i2c.b16 v45  }
0x15: {  	[tilespmem:s22+$0x3060 ss:$0x81] =	vst.msk $0xffff, v3;
	v54 =	vperm.xlane.i2c.b16 v47;
	v57 =	vperm.xlane.i2c.b16 v49  }
0x16: {  	[tilespmem:s17+$0x3870 ss:$0x81] =	vst.msk $0xffff, v1;
	v60 =	vperm.xlane.i2c.b16 v51;
	v56 =	vcombine.low v11, v53  }
0x17: {  	[tilespmem:s22+$0x2040 ss:$0x81] =	vst.msk $0xffff, v55;
	v61 =	vcombine.low v54, v57  }
0x18: {  	v63 =	vcombine.low v60, v58;
	[tilespmem:s17+$0x810 ss:$0x81] =	vst.msk $0xffff, v56  }
0x19: {  	s16 =	sshll.u32 s16, $0x13;
	s28 =	sshrl.u32 s14, $0x1;
	v59 =	vcombine.high v11, v53;
	[tilespmem:s17+$0x1020 ss:$0x81] =	vst.msk $0xffff, v61  }
0x1a: {  	s15 =	sshll.u32 s15, $0xD;
	s29 =	sshrl.u32 s14, $0x3;
	s16 =	sadd.s32 s4, s16;
	v62 =	vcombine.high v54, v57;
	[tilespmem:s17+$0x0 ss:$0x81] =	vst.msk $0xffff, v63  }
0x1b: {  	s30 =	sand.u32 $0x7, s14;
	s19 =	sand.u32 $0x1FC0, s28;
	s15 =	sadd.s32 s15, s16;
	v0 =	vcombine.high v60, v58;
	[tilespmem:s17+$0x2850 ss:$0x81] =	vst.msk $0xffff, v59  }
0x1c: {  	s31 =	sand.u32 $0xF, s29;
	s14 =	sshll.u32 s30, $0x12;
	s15 =	sadd.s32 s19, s15;
	[tilespmem:s17+$0x3060 ss:$0x81] =	vst.msk $0xffff, v62  }
0x1d: {  	s14 =	sor.u32 $0x200, s14;
	s15 =	sadd.s32 s31, s15;
	[tilespmem:s17+$0x2040 ss:$0x81] =	vst.msk $0xffff, v0  }
0x1e: {  	[hbm4b:s15+s14] =	stream.strided.scatter [tilespmem:s18], [sflag:$0x2], $0x4000, s9, s14, $0x20;
	[tilespmem:$0x10100] =	vst v63  }
.LBB1_5:
0x1f: {  	s17 =	sadd.s32 $0x2, s10  }
0x20: {  	s14 =	sadd.s32 $0x200, s11;
	s18 =	smov.u32 s11;
	p2 =	sgt.s32 s17, $0x3F  }
0x21: {  	s18 =	smov.u32 @p2 s14  }
0x22: {  	s20 =	smov.u32 s12;
	s14 =	sadd.s32 $0x8, s12;
	p3 =	sgt.s32 s18, $0x3FF  }
0x23: {  	s20 =	smov.u32 @p3 s14  }
0x24: {  	s17 =	simm.s32 @p2 $0x0;
	p2 =	sgt.s32 s20, $0x7  }
0x25: {  	p1 =	slt.u32 s13, $0x2;
	s20 =	smov.u32 @p2 s5;
	p2 =	sne.s32 s13, s8  }
.Ltmp1:
0x26: {  	s19 =	simm.s32 @!p1 $0x2;
	(pc) =	sbr.rel @!p2 .LBB1_6-.Ltmp1, $4  }
0x27: {  	s15 =	smov.u32 s10;
	s16 =	smov.u32 s12;
	_ =	swait.ge @!p1 [sflag:s19], $0x4000  }
0x28: {  	p0 =	por !p0, !p0;
	[sflag:s19] =	ssyncset.done @!p1 $0x0;
	s10 =	smov.u32 s17  }
0x29: {  	s18 =	smov.u32 @p3 s2;
	s14 =	smov.u32 s11;
	[sflag:s19] =	ssyncadd.s32 @!p1 $0xFFFFC000  }
0x2a: {  	s11 =	smov.u32 s18;
	s13 =	sadd.s32 $0x1, s13;
	s12 =	smov.u32 s20  }
.LBB1_1:
0x2b: {  	p1 =	sge.u32 s13, s7;
	s31 =	sadd.s32 $0xFFFFFFFF, s13  }
0x2c: {  	s17 =	sshll.u32 @!p1 s12, $0x13;
	s18 =	sshll.u32 @!p1 s11, $0x9;
	s19 =	sshll.u32 @!p1 s10, $0x3  }
0x2d: {  	s20 =	sxor.u32 @!p1 $0xFFFFFFFF, s13;
	s17 =	sadd.s32 @!p1 s3, s17;
	s19 =	sand.u32 @!p1 $0x1F0, s19  }
0x2e: {  	s17 =	sadd.s32 @!p1 s18, s17;
	s18 =	sshll.u32 @!p1 s20, $0xE;
	s20 =	simm.s32 @!p1 $0x1000  }
0x2f: {  	s17 =	sadd.s32 @!p1 s19, s17;
	s18 =	sand.u32 @!p1 $0x4000, s18;
	s19 =	simm.s32 @!p1 $0x80  }
0x30: {  	[tilespmem:s18], [sflag:$0x1] =	stream.strided.gather @!p1 [hbm4b:s17+s19], $0x4000, s20, s19, $0x38;
	[tilespmem:$0x10100] =	vst v63  }
0x31: {  	p1 =	sge.u32 s31, s7  }
.Ltmp2:
0x32: {  	_ = 	snop;
	(pc) =	sbr.rel @p1 .LBB1_5-.Ltmp2, $1  }
0x33: {  	_ =	sdelay $0x3  }
0x34: {  	s17 =	simm.s32 $0x1  }
0x35: {  	_ =	swait.ge [sflag:s6], $0x4000;
	s17 =	simm.s32 @!p0 $0x0  }
0x36: {  	[sflag:s6] =	ssyncset.done $0x0;
	s18 =	sshll.u32 s17, $0xE  }
0x37: {  	[sflag:s6] =	ssyncadd.s32 $0xFFFFC000;
	s18 =	sor.u32 $0x40, s18  }
0x38: {  	v0 =	vld [tilespmem:s18+$0x20]  }
0x39: {  	v1 =	vld [tilespmem:s18+$0x30]  }
0x3a: {  	v2 =	vld [tilespmem:s18+$0xFFFFFFD0]  }
0x3b: {  	v3 =	vld [tilespmem:s18+$0xFFFFFFE0]  }
0x3c: {  	v4 =	vld [tilespmem:s18+$0xFFFFFFF0]  }
0x3d: {  	v5 =	vld [tilespmem:s18+$0x0]  }
0x3e: {  	v6 =	vld [tilespmem:s18+$0x10]  }
0x3f: {  	v7 =	vld [tilespmem:s18+$0xFFFFFFC0]  }
0x40: {  	s17 =	smul.u32 $0x10200, s17;
	v1 =	vperm.xlane.i2c.b16 v1;
	v0 =	vperm.xlane.i2c.b16 v0  }
0x41: {  	s18 =	sadd.s32 $0x80, s18;
	v10 =	vperm.xlane.i2c.b16 v2;
	v3 =	vperm.xlane.i2c.b16 v3  }
0x42: {  	s17 =	sshrl.u32 s17, $0x2;
	v9 =	vld [tilespmem:s18+$0x30];
	v4 =	vperm.xlane.i2c.b16 v4;
	v5 =	vperm.xlane.i2c.b16 v5  }
0x43: {  	s17 =	sor.u32 $0x8000, s17;
	v2 =	vld [tilespmem:s18+$0x20];
	v6 =	vperm.xlane.i2c.b16 v6;
	v8 =	vcombine.low v0, v1  }
0x44: {  	v12 =	vld [tilespmem:s18+$0xFFFFFFF0];
	s19 =	sadd.s32 $0x0, s17;
	v13 =	vperm.xlane.i2c.b16 v7;
	v11 =	vcombine.low v3, v4  }
0x45: {  	v0 =	vcombine.high v0, v1;
	v1 =	vld [tilespmem:s18+$0xFFFFFFD0];
	v7 =	vcombine.low v5, v6;
	[tilespmem:s19+$0x1830 ss:$0x81] =	vst.msk $0xffff, v8  }
0x46: {  	v8 =	vld [tilespmem:s18+$0xFFFFFFE0];
	[tilespmem:s19+$0x810 ss:$0x81] =	vst.msk $0xffff, v11  }
0x47: {  	v14 =	vld [tilespmem:s18+$0x0];
	v9 =	vperm.xlane.i2c.b16 v9;
	v5 =	vcombine.high v5, v6;
	[tilespmem:s19+$0x1020 ss:$0x81] =	vst.msk $0xffff, v7  }
0x48: {  	s20 =	sand.u32 $0x1, s13;
	[tilespmem:s19+$0x3870 ss:$0x81] =	vst.msk $0xffff, v0;
	v0 =	vcombine.high v3, v4;
	v3 =	vld [tilespmem:s18+$0x10];
	v2 =	vperm.xlane.i2c.b16 v2  }
0x49: {  	s21 =	smul.u32 $0x10200, s20;
	s20 =	sadd.s32 $0x80, s18;
	v11 =	vcombine.low v13, v10;
	v7 =	vperm.xlane.i2c.b16 v12;
	v4 =	vld [tilespmem:s18+$0xFFFFFFC0];
	[tilespmem:s19+$0x3060 ss:$0x81] =	vst.msk $0xffff, v5  }
0x4a: {  	v5 =	vld [tilespmem:s20+$0x30];
	[tilespmem:s19+$0x2850 ss:$0x81] =	vst.msk $0xffff, v0;
	v0 =	vperm.xlane.i2c.b16 v1;
	v15 =	vcombine.low v2, v9  }
0x4b: {  	s31 =	sshrl.u32 s21, $0x2;
	s22 =	sadd.s32 $0x1, s17;
	[tilespmem:s19+$0x0 ss:$0x81] =	vst.msk $0xffff, v11;
	v1 =	vld [tilespmem:s20+$0x20];
	v9 =	vcombine.high v2, v9;
	v6 =	vperm.xlane.i2c.b16 v8  }
0x4c: {  	s23 =	simm.s32 $0xC;
	s21 =	simm.s32 $0x8;
	v10 =	vcombine.high v13, v10;
	s18 =	sor.u32 $0x8000, s31;
	v2 =	vld [tilespmem:s20+$0xFFFFFFD0];
	v8 =	vperm.xlane.i2c.b16 v14;
	[tilespmem:s22+$0x1830 ss:$0x81] =	vst.msk $0xffff, v15  }
.LBB1_3:
0x4d: {  	p1 =	sne.s32 s23, $0x1FC;
	v11 =	vld [tilespmem:s20+$0xFFFFFFE0];
	v12 =	vcombine.low v6, v7;
	v3 =	vperm.xlane.i2c.b16 v3;
	[tilespmem:s22+$0x3870 ss:$0x81] =	vst.msk $0xffff, v9  }
0x4e: {  	v13 =	vperm.xlane.i2c.b16 v4;
	v4 =	vcombine.high v6, v7;
	v9 =	vld [tilespmem:s20+$0xFFFFFFF0];
	[tilespmem:s19+$0x2040 ss:$0x81] =	vst.msk $0xffff, v10;
	s19 =	smov.u32 s22  }
0x4f: {  	v10 =	vld [tilespmem:s20+$0x0];
	[tilespmem:s19+$0x810 ss:$0x81] =	vst.msk $0xffff, v12;
	v6 =	vcombine.low v8, v3;
	v7 =	vcombine.high v8, v3  }
.Ltmp3:
0x50: {  	v8 =	vperm.xlane.i2c.b16 v5;
	v12 =	vperm.xlane.i2c.b16 v1;
	v3 =	vld [tilespmem:s20+$0x10];
	[tilespmem:s19+$0x2850 ss:$0x81] =	vst.msk $0xffff, v4;
	(pc) =	sbr.rel @p1 .LBB1_3-.Ltmp3, $4  }
0x51: {  	v14 =	vperm.xlane.i2c.b16 v2;
	v2 =	vcombine.low v13, v0;
	v4 =	vld [tilespmem:s20+$0xFFFFFFC0];
	s20 =	sadd.s32 $0x80, s20;
	[tilespmem:s19+$0x1020 ss:$0x81] =	vst.msk $0xffff, v6  }
0x52: {  	s22 =	sshra.s32 s21, $0x2;
	s21 =	smov.u32 s23;
	v1 =	vld [tilespmem:s20+$0x20];
	v6 =	vperm.xlane.i2c.b16 v11;
	v11 =	vcombine.low v12, v8;
	[tilespmem:s19+$0x3060 ss:$0x81] =	vst.msk $0xffff, v7  }
0x53: {  	s22 =	sadd.s32 s22, s17;
	v5 =	vld [tilespmem:s20+$0x30];
	v7 =	vperm.xlane.i2c.b16 v9;
	v9 =	vcombine.high v12, v8;
	[tilespmem:s19+$0x0 ss:$0x81] =	vst.msk $0xffff, v2  }
0x54: {  	s23 =	sadd.s32 $0x4, s23;
	v2 =	vld [tilespmem:s20+$0xFFFFFFD0];
	v8 =	vperm.xlane.i2c.b16 v10;
	[tilespmem:s22+$0x1830 ss:$0x81] =	vst.msk $0xffff, v11;
	v10 =	vcombine.high v13, v0;
	v0 =	vmov v14  }
.Ltmp4:
0x55: {  	_ = 	snop;
	(pc) =	sbr.rel .LBB1_4-.Ltmp4, $1  }
0x56: {  	_ =	sdelay $0x3  }
.LBB1_6:
0x57: {  	_ =	sfence.sel $0x180000  }
0x58: {  	s2 =	simm.s32 $0x1;
	[bflag:$0x0] =	sbarrier.arrive $0xFFFF  }
0x59: {  	s31 =	simm.s32 $0x2;
	[sflag:s2] =	ssyncpa.u1 $0x1  }
0x5a: {  	[sflag:s31] =	ssyncpa.u1 $0x1  }
0x5b: {  	p0 =	sne.s32 s0, $0x0;
	_ =	strace $0x90000056  }
0x5c: {  	s0 =	sadd.s32 @!p0 $0x100000, s1;
	[bflag:$0x2] =	sbarrier.arrive $0xFFFF  }
0x5d: {  	[sflag:s0] =	ssyncadd.tile.s32 @!p0 $0x1;
	_ =	shalt  }
.Lfunc_end1:
_tile_overlayer_lowered:
.L_overlay_start_2:
0x5e: {  	(tag) =	ssettag $0x2  }
0x5f: {  	s0 =	rddreg [dreg:$0x0];
	s2 =	stileid.u32  }
0x60: {  	s1 =	rddreg [dreg:$0x1];
	p0 =	sne.s32 s2, $0x0  }
0x61: {  	s3 =	rddreg [dreg:$0x2];
	[bflag:$0x3] =	sbarrier.arrive $0xFFFF;
	s2 =	simm.s32 @!p0 $0x1C01  }
0x62: {  	[timem:s3], [sflag:s2] =	dma.local @!p0 [hbm:s0], s1  }
0x63: {  	s0 =	simm.s32 @!p0 $0x1  }
0x64: {  	_ =	swait.ge @!p0 [sflag:s0], s1  }
0x65: {  	s1 =	ssub.s32 @!p0 $0x0, s1;
	[sflag:s0] =	ssyncset.done @!p0 $0x0  }
0x66: {  	[sflag:s0] =	ssyncadd.s32 @!p0 s1  }
0x67: {  	[bflag:$0x3] =	sbarrier.arrive $0xFFFF  }
0x68: {  	_ =	shalt  }

// kernel: sparse-core-data-format-call.3.cloned.1.call-start
scs
called_computation.3_lowered:
.L_overlay_start_0:
0x0: {  	s2 =	sld [smem:$0x3FD9]  }
0x1: {  	s3 =	sld [smem:$0x3FFE];
	_ =	sdelay $0x1  }
0x2: {  	s1 =	srdreg.scid  }
0x3: {  	s0 =	sand.u32 $0x1, s1  }
0x4: {  	s18 =	sshll.u32 s0, $0xA;
	s2 =	sadd.s32 s3, s2  }
0x5: {  	s2 =	sadd.s32 s2, s18  }
0x6: {  	[smem:$0x3FA8] =	sst s2  }
0x7: {  	_ = 	snop  }
0x8: {  	(tm) =	ssettm $0x1  }
0x9: {  	s19 =	sld [smem:$0x3FFB];
	_ =	sdelay $0x3  }
0xa: {  	_ =	strace s19  }
0xb: {  	s2 =	sld [smem:$0x3FFC];
	_ =	sdelay $0x3  }
0xc: {  	_ =	strace s2  }
0xd: {  	s2 =	sld [smem:$0x3FFD];
	_ =	sdelay $0x3  }
0xe: {  	_ =	strace s2  }
0xf: {  	_ =	strace $0x8FFFFFFF  }
0x10: {  	s20 =	sld [smem:$0x3FDB];
	_ =	sdelay $0x1  }
0x11: {  	s21 =	simm.s32 $_scs_section_size  }
0x12: {  	s4 =	simm.s32 $_size__tile_overlayer_lowered;
	s5 =	simm.s32 $_tile_overlayer_lowered  }
0x13: {  	s6 =	simm.s32 $0x1BFF;
	s22 =	sshll.u32 s5, $0x1;
	s3 =	sadd.s32 s21, s20  }
0x14: {  	s23 =	simm.s32 $0x0;
	s4 =	sshll.u32 s4, $0x1;
	s5 =	sadd.s32 s22, s3  }
0x15: {  	[timem:s23], [sflag:s6] =	dma.local [hbm:s5], s4  }
0x16: {  	_ =	swait.ge [sflag:s6], s4  }
0x17: {  	s4 =	ssub.s32 $0x0, s4;
	[sflag:s6] =	ssyncset.done $0x0  }
0x18: {  	[sflag:s6] =	ssyncadd.s32 s4;
	_ =	sdelay $0x1  }
0x19: {  	s24 =	simm.s32 $0x1B8B  }
0x1a: {  	_ =	swait.ge [sflag:s24], $0x1  }
0x1b: {  	[sflag:s24] =	ssyncset.done $0x0  }
0x1c: {  	[sflag:s24] =	ssyncadd.s32 $0xFFFFFFFF  }
0x1d: {  	s4 =	sld [smem:$0x0]  }
0x1e: {  	s5 =	sand.u32 $0xFFFFFFFE, s1  }
0x1f: {  	p0 =	sne.s32 s1, s5  }
0x20: {  	s5 =	sshll.u32 @p0 s5, $0xE  }
0x21: {  	s5 =	sadd.s32 @p0 $0x11B8D, s5;
	s6 =	sshll.u32 @p0 s4, $0x11  }
0x22: {  	s5 =	sor.u32 @p0 s6, s5  }
0x23: {  	[sflag:s5] =	ssyncadd.remote.s32 @p0 $0x1;
	_ =	sdelay $0x1  }
0x24: {  	s5 =	simm.s32 @p0 $0x1B8D  }
0x25: {  	_ =	swait.eq @p0 [sflag:s5], $0x1  }
0x26: {  	[sflag:s5] =	ssyncadd.s32 @p0 $0xFFFFFFFF  }
0x27: {  	s6 =	sshll.u32 @!p0 s1, $0xE  }
0x28: {  	s6 =	sor.u32 @!p0 $0x4000, s6;
	s5 =	simm.s32 @!p0 $0x1B8D  }
0x29: {  	s4 =	sshll.u32 @!p0 s4, $0x11;
	s6 =	sadd.s32 @!p0 $0x11B8D, s6;
	_ =	swait.eq @!p0 [sflag:s5], $0x1  }
0x2a: {  	s4 =	sor.u32 @!p0 s4, s6;
	[sflag:s5] =	ssyncadd.s32 @!p0 $0xFFFFFFFF  }
0x2b: {  	s26 =	simm.s32 $0x1B8E;
	s25 =	sld [smem:$0x3FFE];
	[sflag:s4] =	ssyncadd.remote.s32 @!p0 $0x1  }
0x2c: {  	s27 =	simm.s32 $execute0_lowered;
	[smem:$0x3FD2] =	sst s26  }
0x2d: {  	s5 =	sshll.u32 s27, $0x1;
	_ =	strace $0x8000004C;
	[dreg:$0x1] =	wrdreg $0xFFFFFFFF  }
0x2e: {  	s28 =	simm.s32 $_size_execute0_lowered;
	s3 =	sadd.s32 s3, s5;
	[dreg:$0x0] =	wrdreg $0x0  }
0x2f: {  	s5 =	sshll.u32 s28, $0x1;
	[dreg:$0x2] =	wrdreg s3  }
0x30: {  	[dreg:$0x3] =	wrdreg s5  }
0x31: {  	[dreg:$0x4] =	wrdreg $0xC0  }
0x32: {  	_ =	task [dreg:s23], $0x5FFFF  }
0x33: {  	[dreg:$0x1] =	wrdreg $0xFFFFFFFF  }
0x34: {  	[dreg:$0x0] =	wrdreg $0x60  }
0x35: {  	[dreg:$0x2] =	wrdreg s25  }
0x36: {  	[dreg:$0x3] =	wrdreg $0xA  }
0x37: {  	_ =	task.clear_ibuf [dreg:s23], $0x4FFFF;
	_ =	strace $0x9000004C  }
0x38: {  	s29 =	simm.s32 $0xA;
	_ =	strace $0x8000004E  }
0x39: {  	_ =	swait.ge [sflag:s29], $0x1  }
0x3a: {  	[sflag:s29] =	ssyncadd.s32 $0xFFFFFFFF  }
0x3b: {  	_ =	strace $0x9000004E  }
0x3c: {  	_ =	sfence  }
0x3d: {  	s30 =	sld [smem:$0x0];
	_ =	sdelay $0x2  }
0x3e: {  	s31 =	sshll.u32 s1, $0xD;
	s1 =	sshrl.u32 s1, $0x2  }
0x3f: {  	s4 =	sand.u32 $0x4000, s31;
	s1 =	sadd.s32 s1, s30  }
0x40: {  	s0 =	sor.u32 s4, s0;
	s1 =	sshll.u32 s1, $0x11  }
0x41: {  	s0 =	sor.u32 s1, s0  }
0x42: {  	s0 =	sadd.s32 $0x8F2B, s0  }
0x43: {  	[sflag:s0] =	ssyncadd.remote.s32 $0x1  }
0x44: {  	_ =	sfence.sel $0xFFFF  }
0x45: {  	[dreg:$0x0] =	wrdreg $0xFFFFFFFF;
	(pc) =	sbr.abs _section_cstart, $3  }
0x46: {  	[dreg:$0x1] =	wrdreg $0xFFFFFFFF  }
0x47: {  	_ =	task.clear_ibuf [dreg:s23], $0x2FFFF;
	_ =	strace $0x9FFFFFFF  }
0x48: {  	(tm) =	ssettm $0x7FFFFFFF  }
0x49: {  	_ =	shalt  }
tec
execute0_lowered:
.L_overlay_start_1:
0x0: {  	(tag) =	ssettag $0x1  }
0x1: {  	s0 =	stileid.u32;
	s1 =	srdreg.scid  }
0x2: {  	s4 =	rddreg [dreg:$0x0];
	s7 =	simm.s32 $0x1;
	s31 =	simm.s32 $0x2  }
0x3: {  	s16 =	simm.s32 $0x0;
	s2 =	sshll.u32 s0, $0x4;
	s1 =	sshll.u32 s1, $0x8  }
0x4: {  	s9 =	simm.s32 $0x2000;
	s14 =	simm.s32 $0x0;
	s1 =	sor.u32 s2, s1  }
0x5: {  	s15 =	simm.s32 $0x0;
	s10 =	simm.s32 $0x0;
	s2 =	sand.u32 $0x180, s1  }
0x6: {  	s13 =	simm.s32 $0x0;
	s3 =	sadd.s32 $0x21A00, s4;
	s5 =	ssub.s32 $0x400, s2  }
0x7: {  	s4 =	sadd.s32 $0x629A00, s4;
	s1 =	rddreg [dreg:$0x1];
	s6 =	sand.u32 $0x180, s5  }
.Ltmp0:
0x8: {  	_ =	strace $0x8000004D;
	p0 =	sne.s32 s6, $0x0;
	(pc) =	sbr.rel .LBB1_1-.Ltmp0, $4  }
0x9: {  	s11 =	smov.u32 s2;
	s8 =	sshrl.u32 s5, $0x9;
	s7 =	simm.s32 @!p0 $0x0  }
0xa: {  	s5 =	sand.u32 $0x7, s0;
	s6 =	simm.s32 $0x1;
	s7 =	sadd.s32 s7, s8  }
0xb: {  	s12 =	smov.u32 s5;
	[sflag:s6] =	ssyncpa.u1 $0x0;
	s7 =	sshll.u32 s7, $0x4  }
0xc: {  	p0 =	por $0x0, $0x0;
	[sflag:s31] =	ssyncpa.u1 $0x0;
	s8 =	sor.u32 $0x1, s7  }
.LBB1_4:
0xd: {  	v5 =	vld [tilespmem:s20+$0xFFFFFFD0];
	[tilespmem:s19+$0x2040 ss:$0x81] =	vst.msk $0xffff, v1  }
0xe: {  	v58 =	vld [tilespmem:s20+$0xFFFFFFE0];
	[tilespmem:s19+$0x2850 ss:$0x81] =	vst.msk $0xffff, v2  }
0xf: {  	s21 =	sshra.s32 s21, $0x2;
	v59 =	vld [tilespmem:s20+$0xFFFFFFF0];
	[tilespmem:s19+$0x3060 ss:$0x81] =	vst.msk $0xffff, v3  }
0x10: {  	v60 =	vld [tilespmem:s20+$0x0];
	[tilespmem:s19+$0x0 ss:$0x81] =	vst.msk $0xffff, v0;
	s18 =	sadd.s32 s21, s18  }
0x11: {  	v61 =	vld [tilespmem:s20+$0x10];
	[tilespmem:s18+$0x3870 ss:$0x81] =	vst.msk $0xffff, v4  }
0x12: {  	v62 =	vld [tilespmem:s20+$0x20];
	s26 =	sshll.u32 s16, $0xA;
	s27 =	sshll.u32 s14, $0x3;
	[tilespmem:s18+$0x810 ss:$0x81] =	vst.msk $0xffff, v5  }
0x13: {  	v63 =	vld [tilespmem:s20+$0xFFFFFFC0];
	s29 =	sshll.u32 s16, $0x7;
	s30 =	sand.u32 $0x78, s14;
	s15 =	sshll.u32 s15, $0x12;
	[tilespmem:s18+$0x1020 ss:$0x81] =	vst.msk $0xffff, v58  }
0x14: {  	s19 =	sand.u32 $0x1FE000, s26;
	s28 =	sand.u32 $0x1FFC00, s27;
	s16 =	sand.u32 $0x380, s29;
	[tilespmem:s18+$0x1830 ss:$0x81] =	vst.msk $0xffff, v59  }
0x15: {  	s31 =	sand.u32 $0x7, s14;
	s19 =	sadd.s32 s28, s19;
	s16 =	sor.u32 s30, s16;
	[tilespmem:s18+$0x2040 ss:$0x81] =	vst.msk $0xffff, v60  }
0x16: {  	s15 =	sadd.s32 s4, s15;
	s19 =	sshrl.u32 s19, $0x3;
	s16 =	sshrl.u32 s16, $0x3;
	[tilespmem:s18+$0x2850 ss:$0x81] =	vst.msk $0xffff, v61  }
0x17: {  	s14 =	sshll.u32 s31, $0x12;
	s19 =	sand.u32 $0x3FF80, s19;
	s15 =	sadd.s32 s16, s15;
	[tilespmem:s18+$0x3060 ss:$0x81] =	vst.msk $0xffff, v62  }
0x18: {  	s14 =	sor.u32 $0x400, s14;
	[tilespmem:s18+$0x0 ss:$0x81] =	vst.msk $0xffff, v63;
	s15 =	sadd.s32 s19, s15  }
0x19: {  	[hbm4b:s15+s14] =	stream.strided.scatter [tilespmem:s17], [sflag:$0x2], $0x4000, s9, s14, $0x20;
	[tilespmem:$0x10100] =	vst v63  }
.LBB1_5:
0x1a: {  	s17 =	sadd.s32 $0x80, s10  }
0x1b: {  	s14 =	sadd.s32 $0x200, s11;
	s18 =	smov.u32 s11;
	p2 =	sgt.s32 s17, $0x7FF  }
0x1c: {  	s18 =	smov.u32 @p2 s14  }
0x1d: {  	s20 =	smov.u32 s12;
	s14 =	sadd.s32 $0x8, s12;
	p3 =	sgt.s32 s18, $0x3FF  }
0x1e: {  	s20 =	smov.u32 @p3 s14  }
0x1f: {  	s17 =	simm.s32 @p2 $0x0;
	p2 =	sgt.s32 s20, $0x7  }
0x20: {  	p1 =	slt.u32 s13, $0x2;
	s20 =	smov.u32 @p2 s5;
	p2 =	sne.s32 s13, s8  }
.Ltmp1:
0x21: {  	s19 =	simm.s32 @!p1 $0x2;
	(pc) =	sbr.rel @!p2 .LBB1_6-.Ltmp1, $4  }
0x22: {  	s16 =	smov.u32 s10;
	s15 =	smov.u32 s12;
	_ =	swait.ge @!p1 [sflag:s19], $0x4000  }
0x23: {  	p0 =	por !p0, !p0;
	[sflag:s19] =	ssyncset.done @!p1 $0x0;
	s10 =	smov.u32 s17  }
0x24: {  	s18 =	smov.u32 @p3 s2;
	s14 =	smov.u32 s11;
	[sflag:s19] =	ssyncadd.s32 @!p1 $0xFFFFC000  }
0x25: {  	s11 =	smov.u32 s18;
	s13 =	sadd.s32 $0x1, s13;
	s12 =	smov.u32 s20  }
.LBB1_1:
0x26: {  	p1 =	sge.u32 s13, s7;
	s31 =	sadd.s32 $0xFFFFFFFF, s13  }
0x27: {  	s17 =	sxor.u32 @!p1 $0xFFFFFFFF, s13;
	s18 =	sand.u32 @!p1 $0x78, s10;
	s19 =	sshll.u32 @!p1 s11, $0xB  }
0x28: {  	s20 =	sshll.u32 @!p1 s11, $0x7;
	s21 =	sshll.u32 @!p1 s10, $0x3;
	s17 =	sshll.u32 @!p1 s17, $0xE  }
0x29: {  	s19 =	sand.u32 @!p1 $0x1FC000, s19;
	s20 =	sand.u32 @!p1 $0x380, s20;
	s17 =	sand.u32 @!p1 $0x4000, s17  }
0x2a: {  	s19 =	sadd.s32 @!p1 s19, s21;
	s21 =	sand.u32 @!p1 $0x400, s21;
	s18 =	sor.u32 @!p1 s20, s18  }
0x2b: {  	s20 =	sshll.u32 @!p1 s12, $0x12;
	s18 =	sor.u32 @!p1 s21, s18;
	s19 =	sshrl.u32 @!p1 s19, $0x3  }
0x2c: {  	s20 =	sadd.s32 @!p1 s3, s20;
	s21 =	sand.u32 @!p1 $0x7, s10;
	s19 =	sand.u32 @!p1 $0x3FF00, s19  }
0x2d: {  	s18 =	sshrl.u32 @!p1 s18, $0x3;
	s19 =	sadd.s32 @!p1 s19, s20;
	s20 =	sshll.u32 @!p1 s21, $0x12  }
0x2e: {  	s18 =	sadd.s32 @!p1 s18, s19;
	s19 =	sor.u32 @!p1 $0x400, s20;
	s20 =	simm.s32 @!p1 $0x4000  }
0x2f: {  	[tilespmem:s17], [sflag:$0x1] =	stream.strided.gather @!p1 [hbm4b:s18+s19], $0x4000, s20, s19, $0x38;
	[tilespmem:$0x10100] =	vst v63  }
0x30: {  	p1 =	sge.u32 s31, s7  }
.Ltmp2:
0x31: {  	_ = 	snop;
	(pc) =	sbr.rel @p1 .LBB1_5-.Ltmp2, $1  }
0x32: {  	_ =	sdelay $0x3  }
0x33: {  	s17 =	simm.s32 $0x1  }
0x34: {  	_ =	swait.ge [sflag:s6], $0x4000;
	s17 =	simm.s32 @!p0 $0x0  }
0x35: {  	[sflag:s6] =	ssyncset.done $0x0;
	s18 =	sshll.u32 s17, $0xE  }
0x36: {  	[sflag:s6] =	ssyncadd.s32 $0xFFFFC000;
	s20 =	sor.u32 $0x40, s18  }
0x37: {  	s17 =	smul.u32 $0x10200, s17;
	v0 =	vld [tilespmem:s20+$0x30]  }
0x38: {  	v3 =	vld [tilespmem:s20+$0xFFFFFFD0]  }
0x39: {  	s17 =	sshrl.u32 s17, $0x2;
	v4 =	vld [tilespmem:s20+$0xFFFFFFE0]  }
0x3a: {  	v5 =	vld [tilespmem:s20+$0xFFFFFFF0];
	s18 =	sor.u32 $0x8000, s17  }
0x3b: {  	s31 =	sand.u32 $0x1, s13;
	v1 =	vld [tilespmem:s20+$0x0];
	s19 =	sadd.s32 $0x0, s18  }
0x3c: {  	v2 =	vld [tilespmem:s20+$0x10];
	s17 =	smul.u32 $0x10200, s31;
	[tilespmem:s19+$0x3870 ss:$0x81] =	vst.msk $0xffff, v0  }
0x3d: {  	[tilespmem:s19+$0x810 ss:$0x81] =	vst.msk $0xffff, v3;
	v3 =	vld [tilespmem:s20+$0x20]  }
0x3e: {  	s17 =	sshrl.u32 s17, $0x2;
	v0 =	vld [tilespmem:s20+$0xFFFFFFC0];
	[tilespmem:s19+$0x1020 ss:$0x81] =	vst.msk $0xffff, v4;
	s20 =	sadd.s32 $0x80, s20  }
0x3f: {  	s21 =	simm.s32 $0x4;
	s22 =	simm.s32 $0x8;
	s17 =	sor.u32 $0x8000, s17;
	[tilespmem:s19+$0x1830 ss:$0x81] =	vst.msk $0xffff, v5;
	v4 =	vld [tilespmem:s20+$0x30]  }
.LBB1_3:
0x40: {  	p1 =	sne.s32 s22, $0x1FC;
	v5 =	vld [tilespmem:s20+$0xFFFFFFD0];
	[tilespmem:s19+$0x2040 ss:$0x81] =	vst.msk $0xffff, v1  }
0x41: {  	v6 =	vld [tilespmem:s20+$0xFFFFFFE0];
	[tilespmem:s19+$0x2850 ss:$0x81] =	vst.msk $0xffff, v2  }
0x42: {  	s23 =	sshra.s32 s21, $0x2;
	s21 =	smov.u32 s22;
	v7 =	vld [tilespmem:s20+$0xFFFFFFF0];
	[tilespmem:s19+$0x3060 ss:$0x81] =	vst.msk $0xffff, v3  }
.Ltmp3:
0x43: {  	v1 =	vld [tilespmem:s20+$0x0];
	[tilespmem:s19+$0x0 ss:$0x81] =	vst.msk $0xffff, v0;
	s19 =	sadd.s32 s23, s18;
	(pc) =	sbr.rel @p1 .LBB1_3-.Ltmp3, $4  }
0x44: {  	v2 =	vld [tilespmem:s20+$0x10];
	[tilespmem:s19+$0x3870 ss:$0x81] =	vst.msk $0xffff, v4  }
0x45: {  	[tilespmem:s19+$0x810 ss:$0x81] =	vst.msk $0xffff, v5;
	v3 =	vld [tilespmem:s20+$0x20]  }
0x46: {  	v0 =	vld [tilespmem:s20+$0xFFFFFFC0];
	[tilespmem:s19+$0x1020 ss:$0x81] =	vst.msk $0xffff, v6;
	s20 =	sadd.s32 $0x80, s20  }
0x47: {  	s22 =	sadd.s32 $0x4, s22;
	v4 =	vld [tilespmem:s20+$0x30];
	[tilespmem:s19+$0x1830 ss:$0x81] =	vst.msk $0xffff, v7  }
.Ltmp4:
0x48: {  	_ = 	snop;
	(pc) =	sbr.rel .LBB1_4-.Ltmp4, $1  }
0x49: {  	_ =	sdelay $0x3  }
.LBB1_6:
0x4a: {  	_ =	sfence.sel $0x180000  }
0x4b: {  	s2 =	simm.s32 $0x1;
	[bflag:$0x0] =	sbarrier.arrive $0xFFFF  }
0x4c: {  	s31 =	simm.s32 $0x2;
	[sflag:s2] =	ssyncpa.u1 $0x1  }
0x4d: {  	[sflag:s31] =	ssyncpa.u1 $0x1  }
0x4e: {  	p0 =	sne.s32 s0, $0x0;
	_ =	strace $0x9000004D  }
0x4f: {  	s0 =	sadd.s32 @!p0 $0x100000, s1;
	[bflag:$0x2] =	sbarrier.arrive $0xFFFF  }
0x50: {  	[sflag:s0] =	ssyncadd.tile.s32 @!p0 $0x1;
	_ =	shalt  }
.Lfunc_end1:
_tile_overlayer_lowered:
.L_overlay_start_2:
0x51: {  	(tag) =	ssettag $0x2  }
0x52: {  	s0 =	rddreg [dreg:$0x0];
	s2 =	stileid.u32  }
0x53: {  	s1 =	rddreg [dreg:$0x1];
	p0 =	sne.s32 s2, $0x0  }
0x54: {  	s3 =	rddreg [dreg:$0x2];
	[bflag:$0x3] =	sbarrier.arrive $0xFFFF;
	s2 =	simm.s32 @!p0 $0x1C01  }
0x55: {  	[timem:s3], [sflag:s2] =	dma.local @!p0 [hbm:s0], s1  }
0x56: {  	s0 =	simm.s32 @!p0 $0x1  }
0x57: {  	_ =	swait.ge @!p0 [sflag:s0], s1  }
0x58: {  	s1 =	ssub.s32 @!p0 $0x0, s1;
	[sflag:s0] =	ssyncset.done @!p0 $0x0  }
0x59: {  	[sflag:s0] =	ssyncadd.s32 @!p0 s1  }
0x5a: {  	[bflag:$0x3] =	sbarrier.arrive $0xFFFF  }
0x5b: {  	_ =	shalt  }

// kernel: sparse-core-data-format-call.cloned.1.call-start
scs
called_computation_lowered:
.L_overlay_start_0:
0x0: {  	s2 =	sld [smem:$0x3FD9]  }
0x1: {  	s3 =	sld [smem:$0x3FFE];
	_ =	sdelay $0x1  }
0x2: {  	s1 =	srdreg.scid  }
0x3: {  	s0 =	sand.u32 $0x1, s1  }
0x4: {  	s18 =	sshll.u32 s0, $0xA;
	s2 =	sadd.s32 s3, s2  }
0x5: {  	s2 =	sadd.s32 s2, s18  }
0x6: {  	[smem:$0x3FA8] =	sst s2  }
0x7: {  	_ = 	snop  }
0x8: {  	(tm) =	ssettm $0x1  }
0x9: {  	s19 =	sld [smem:$0x3FFB];
	_ =	sdelay $0x3  }
0xa: {  	_ =	strace s19  }
0xb: {  	s2 =	sld [smem:$0x3FFC];
	_ =	sdelay $0x3  }
0xc: {  	_ =	strace s2  }
0xd: {  	s2 =	sld [smem:$0x3FFD];
	_ =	sdelay $0x3  }
0xe: {  	_ =	strace s2  }
0xf: {  	_ =	strace $0x8FFFFFFF  }
0x10: {  	s20 =	sld [smem:$0x3FDB];
	_ =	sdelay $0x1  }
0x11: {  	s21 =	simm.s32 $_scs_section_size  }
0x12: {  	s4 =	simm.s32 $_size__tile_overlayer_lowered;
	s5 =	simm.s32 $_tile_overlayer_lowered  }
0x13: {  	s6 =	simm.s32 $0x1BFF;
	s22 =	sshll.u32 s5, $0x1;
	s3 =	sadd.s32 s21, s20  }
0x14: {  	s23 =	simm.s32 $0x0;
	s4 =	sshll.u32 s4, $0x1;
	s5 =	sadd.s32 s22, s3  }
0x15: {  	[timem:s23], [sflag:s6] =	dma.local [hbm:s5], s4  }
0x16: {  	_ =	swait.ge [sflag:s6], s4  }
0x17: {  	s4 =	ssub.s32 $0x0, s4;
	[sflag:s6] =	ssyncset.done $0x0  }
0x18: {  	[sflag:s6] =	ssyncadd.s32 s4;
	_ =	sdelay $0x1  }
0x19: {  	s24 =	simm.s32 $0x1B8B  }
0x1a: {  	_ =	swait.ge [sflag:s24], $0x1  }
0x1b: {  	[sflag:s24] =	ssyncset.done $0x0  }
0x1c: {  	[sflag:s24] =	ssyncadd.s32 $0xFFFFFFFF  }
0x1d: {  	s4 =	sld [smem:$0x0]  }
0x1e: {  	s5 =	sand.u32 $0xFFFFFFFE, s1  }
0x1f: {  	p0 =	sne.s32 s1, s5  }
0x20: {  	s5 =	sshll.u32 @p0 s5, $0xE  }
0x21: {  	s5 =	sadd.s32 @p0 $0x11B8D, s5;
	s6 =	sshll.u32 @p0 s4, $0x11  }
0x22: {  	s5 =	sor.u32 @p0 s6, s5  }
0x23: {  	[sflag:s5] =	ssyncadd.remote.s32 @p0 $0x1;
	_ =	sdelay $0x1  }
0x24: {  	s5 =	simm.s32 @p0 $0x1B8D  }
0x25: {  	_ =	swait.eq @p0 [sflag:s5], $0x1  }
0x26: {  	[sflag:s5] =	ssyncadd.s32 @p0 $0xFFFFFFFF  }
0x27: {  	s6 =	sshll.u32 @!p0 s1, $0xE  }
0x28: {  	s6 =	sor.u32 @!p0 $0x4000, s6;
	s5 =	simm.s32 @!p0 $0x1B8D  }
0x29: {  	s4 =	sshll.u32 @!p0 s4, $0x11;
	s6 =	sadd.s32 @!p0 $0x11B8D, s6;
	_ =	swait.eq @!p0 [sflag:s5], $0x1  }
0x2a: {  	s4 =	sor.u32 @!p0 s4, s6;
	[sflag:s5] =	ssyncadd.s32 @!p0 $0xFFFFFFFF  }
0x2b: {  	s26 =	simm.s32 $0x1B8E;
	s25 =	sld [smem:$0x3FFE];
	[sflag:s4] =	ssyncadd.remote.s32 @!p0 $0x1  }
0x2c: {  	s27 =	simm.s32 $execute0_lowered;
	[smem:$0x3FD2] =	sst s26  }
0x2d: {  	s5 =	sshll.u32 s27, $0x1;
	_ =	strace $0x80000052;
	[dreg:$0x1] =	wrdreg $0xFFFFFFFF  }
0x2e: {  	s28 =	simm.s32 $_size_execute0_lowered;
	s3 =	sadd.s32 s3, s5;
	[dreg:$0x0] =	wrdreg $0x0  }
0x2f: {  	s5 =	sshll.u32 s28, $0x1;
	[dreg:$0x2] =	wrdreg s3  }
0x30: {  	[dreg:$0x3] =	wrdreg s5  }
0x31: {  	[dreg:$0x4] =	wrdreg $0xC0  }
0x32: {  	_ =	task [dreg:s23], $0x5FFFF  }
0x33: {  	[dreg:$0x1] =	wrdreg $0xFFFFFFFF  }
0x34: {  	[dreg:$0x0] =	wrdreg $0x60  }
0x35: {  	[dreg:$0x2] =	wrdreg s25  }
0x36: {  	[dreg:$0x3] =	wrdreg $0x9  }
0x37: {  	_ =	task.clear_ibuf [dreg:s23], $0x4FFFF;
	_ =	strace $0x90000052  }
0x38: {  	s29 =	simm.s32 $0x9;
	_ =	strace $0x80000054  }
0x39: {  	_ =	swait.ge [sflag:s29], $0x1  }
0x3a: {  	[sflag:s29] =	ssyncadd.s32 $0xFFFFFFFF  }
0x3b: {  	_ =	strace $0x90000054  }
0x3c: {  	_ =	sfence  }
0x3d: {  	s30 =	sld [smem:$0x0];
	_ =	sdelay $0x2  }
0x3e: {  	s31 =	sshll.u32 s1, $0xD;
	s1 =	sshrl.u32 s1, $0x2  }
0x3f: {  	s4 =	sand.u32 $0x4000, s31;
	s1 =	sadd.s32 s1, s30  }
0x40: {  	s0 =	sor.u32 s4, s0;
	s1 =	sshll.u32 s1, $0x11  }
0x41: {  	s0 =	sor.u32 s1, s0  }
0x42: {  	s0 =	sadd.s32 $0x8F2B, s0  }
0x43: {  	[sflag:s0] =	ssyncadd.remote.s32 $0x1  }
0x44: {  	_ =	sfence.sel $0xFFFF  }
0x45: {  	[dreg:$0x0] =	wrdreg $0xFFFFFFFF;
	(pc) =	sbr.abs _section_cstart, $3  }
0x46: {  	[dreg:$0x1] =	wrdreg $0xFFFFFFFF  }
0x47: {  	_ =	task.clear_ibuf [dreg:s23], $0x2FFFF;
	_ =	strace $0x9FFFFFFF  }
0x48: {  	(tm) =	ssettm $0x7FFFFFFF  }
0x49: {  	_ =	shalt  }
tec
execute0_lowered:
.L_overlay_start_1:
0x0: {  	(tag) =	ssettag $0x1  }
0x1: {  	s0 =	stileid.u32;
	s1 =	srdreg.scid  }
0x2: {  	s4 =	rddreg [dreg:$0x0];
	s7 =	simm.s32 $0x1;
	s31 =	simm.s32 $0x2  }
0x3: {  	s16 =	simm.s32 $0x0;
	s2 =	sshll.u32 s0, $0x4;
	s1 =	sshll.u32 s1, $0x8  }
0x4: {  	s9 =	simm.s32 $0x4000;
	s14 =	simm.s32 $0x0;
	s1 =	sor.u32 s2, s1  }
0x5: {  	s15 =	simm.s32 $0x0;
	s10 =	simm.s32 $0x0;
	s2 =	sand.u32 $0x180, s1  }
0x6: {  	s13 =	simm.s32 $0x0;
	s3 =	sadd.s32 $0x429A00, s4;
	s5 =	ssub.s32 $0x800, s2  }
0x7: {  	s4 =	sadd.s32 $0x82E200, s4;
	s1 =	rddreg [dreg:$0x1];
	s6 =	sand.u32 $0x180, s5  }
.Ltmp0:
0x8: {  	_ =	strace $0x80000053;
	p0 =	sne.s32 s6, $0x0;
	(pc) =	sbr.rel .LBB1_1-.Ltmp0, $4  }
0x9: {  	s11 =	smov.u32 s2;
	s8 =	sshrl.u32 s5, $0x9;
	s7 =	simm.s32 @!p0 $0x0  }
0xa: {  	s5 =	sand.u32 $0x7, s0;
	s6 =	simm.s32 $0x1;
	s7 =	sadd.s32 s7, s8  }
0xb: {  	s12 =	smov.u32 s5;
	[sflag:s6] =	ssyncpa.u1 $0x0;
	s7 =	sshll.u32 s7, $0x3  }
0xc: {  	p0 =	por $0x0, $0x0;
	[sflag:s31] =	ssyncpa.u1 $0x0;
	s8 =	sor.u32 $0x1, s7  }
.LBB1_4:
0xd: {  	v5 =	vld [tilespmem:s19+$0xFFFFFFD0]  }
0xe: {  	[tilespmem:s20+$0x2040 ss:$0x81] =	vst.msk $0xffff, v1;
	v58 =	vld [tilespmem:s19+$0xFFFFFFE0]  }
0xf: {  	[tilespmem:s20+$0x2850 ss:$0x81] =	vst.msk $0xffff, v2;
	v59 =	vld [tilespmem:s19+$0xFFFFFFF0]  }
0x10: {  	s21 =	sshra.s32 s21, $0x2;
	[tilespmem:s20+$0x3060 ss:$0x81] =	vst.msk $0xffff, v3;
	v60 =	vld [tilespmem:s19+$0x0]  }
0x11: {  	[tilespmem:s20+$0x0 ss:$0x81] =	vst.msk $0xffff, v0;
	v61 =	vld [tilespmem:s19+$0x10];
	s18 =	sadd.s32 s21, s18  }
0x12: {  	s26 =	sshll.u32 s16, $0xB;
	v62 =	vld [tilespmem:s19+$0x20];
	[tilespmem:s18+$0x3870 ss:$0x81] =	vst.msk $0xffff, v4  }
0x13: {  	s27 =	sand.u32 $0x78, s14;
	s22 =	sshll.u32 s14, $0x3;
	v63 =	vld [tilespmem:s19+$0xFFFFFFC0];
	s29 =	sshll.u32 s16, $0x7;
	[tilespmem:s18+$0x810 ss:$0x81] =	vst.msk $0xffff, v5  }
0x14: {  	s15 =	sshll.u32 s15, $0x12;
	s20 =	sand.u32 $0x1FC000, s26;
	s28 =	sand.u32 $0x1FFC00, s22;
	[tilespmem:s18+$0x1020 ss:$0x81] =	vst.msk $0xffff, v58  }
0x15: {  	s31 =	sand.u32 $0x7, s14;
	s22 =	sand.u32 $0x400, s22;
	s19 =	sadd.s32 s28, s20;
	[tilespmem:s18+$0x1830 ss:$0x81] =	vst.msk $0xffff, v59  }
0x16: {  	s16 =	sand.u32 $0x380, s29;
	s30 =	sor.u32 s27, s22;
	s19 =	sshrl.u32 s19, $0x3;
	[tilespmem:s18+$0x2040 ss:$0x81] =	vst.msk $0xffff, v60  }
0x17: {  	s15 =	sadd.s32 s4, s15;
	s16 =	sor.u32 s16, s30;
	s19 =	sand.u32 $0x3FF00, s19;
	[tilespmem:s18+$0x2850 ss:$0x81] =	vst.msk $0xffff, v61  }
0x18: {  	s14 =	sshll.u32 s31, $0x12;
	s16 =	sshrl.u32 s16, $0x3;
	[tilespmem:s18+$0x3060 ss:$0x81] =	vst.msk $0xffff, v62;
	s15 =	sadd.s32 s19, s15  }
0x19: {  	s14 =	sor.u32 $0x400, s14;
	[tilespmem:s18+$0x0 ss:$0x81] =	vst.msk $0xffff, v63;
	s15 =	sadd.s32 s16, s15  }
0x1a: {  	[hbm4b:s15+s14] =	stream.strided.scatter [tilespmem:s17], [sflag:$0x2], $0x4000, s9, s14, $0x20;
	[tilespmem:$0x10100] =	vst v63  }
.LBB1_5:
0x1b: {  	s17 =	sadd.s32 $0x80, s10  }
0x1c: {  	s14 =	sadd.s32 $0x200, s11;
	s18 =	smov.u32 s11;
	p2 =	sgt.s32 s17, $0x3FF  }
0x1d: {  	s18 =	smov.u32 @p2 s14  }
0x1e: {  	s20 =	smov.u32 s12;
	s14 =	sadd.s32 $0x8, s12;
	p3 =	sgt.s32 s18, $0x7FF  }
0x1f: {  	s20 =	smov.u32 @p3 s14  }
0x20: {  	s17 =	simm.s32 @p2 $0x0;
	p2 =	sgt.s32 s20, $0x7  }
0x21: {  	p1 =	slt.u32 s13, $0x2;
	s20 =	smov.u32 @p2 s5;
	p2 =	sne.s32 s13, s8  }
.Ltmp1:
0x22: {  	s19 =	simm.s32 @!p1 $0x2;
	(pc) =	sbr.rel @!p2 .LBB1_6-.Ltmp1, $4  }
0x23: {  	s16 =	smov.u32 s10;
	s15 =	smov.u32 s12;
	_ =	swait.ge @!p1 [sflag:s19], $0x4000  }
0x24: {  	p0 =	por !p0, !p0;
	[sflag:s19] =	ssyncset.done @!p1 $0x0;
	s10 =	smov.u32 s17  }
0x25: {  	s18 =	smov.u32 @p3 s2;
	s14 =	smov.u32 s11;
	[sflag:s19] =	ssyncadd.s32 @!p1 $0xFFFFC000  }
0x26: {  	s11 =	smov.u32 s18;
	s13 =	sadd.s32 $0x1, s13;
	s12 =	smov.u32 s20  }
.LBB1_1:
0x27: {  	p1 =	sge.u32 s13, s7  }
0x28: {  	s31 =	sadd.s32 $0xFFFFFFFF, s13;
	s17 =	sshll.u32 @!p1 s11, $0x7  }
0x29: {  	s18 =	sxor.u32 @!p1 $0xFFFFFFFF, s13;
	s19 =	sand.u32 @!p1 $0x78, s10;
	s20 =	sand.u32 @!p1 $0x380, s17  }
0x2a: {  	s18 =	sshll.u32 @!p1 s18, $0xE;
	s19 =	sor.u32 @!p1 s19, s20;
	s20 =	sshll.u32 @!p1 s12, $0x12  }
0x2b: {  	s17 =	sand.u32 @!p1 $0x3FC00, s17;
	s19 =	sshrl.u32 @!p1 s19, $0x3;
	s20 =	sadd.s32 @!p1 s3, s20  }
0x2c: {  	s17 =	sadd.s32 @!p1 s10, s17;
	s19 =	sadd.s32 @!p1 s19, s20;
	s20 =	sand.u32 @!p1 $0x7, s10  }
0x2d: {  	s18 =	sand.u32 @!p1 $0x4000, s18;
	s17 =	sand.u32 @!p1 $0x3FF80, s17;
	s20 =	sshll.u32 @!p1 s20, $0x12  }
0x2e: {  	s17 =	sadd.s32 @!p1 s17, s19;
	s19 =	sor.u32 @!p1 $0x400, s20;
	s20 =	simm.s32 @!p1 $0x2000  }
0x2f: {  	[tilespmem:s18], [sflag:$0x1] =	stream.strided.gather @!p1 [hbm4b:s17+s19], $0x4000, s20, s19, $0x38;
	[tilespmem:$0x10100] =	vst v63  }
0x30: {  	p1 =	sge.u32 s31, s7  }
.Ltmp2:
0x31: {  	_ = 	snop;
	(pc) =	sbr.rel @p1 .LBB1_5-.Ltmp2, $1  }
0x32: {  	_ =	sdelay $0x3  }
0x33: {  	s17 =	simm.s32 $0x1  }
0x34: {  	_ =	swait.ge [sflag:s6], $0x4000;
	s17 =	simm.s32 @!p0 $0x0  }
0x35: {  	[sflag:s6] =	ssyncset.done $0x0;
	s18 =	sshll.u32 s17, $0xE  }
0x36: {  	[sflag:s6] =	ssyncadd.s32 $0xFFFFC000;
	s19 =	sor.u32 $0x40, s18  }
0x37: {  	s17 =	smul.u32 $0x10200, s17;
	v0 =	vld [tilespmem:s19+$0x30]  }
0x38: {  	v3 =	vld [tilespmem:s19+$0xFFFFFFD0]  }
0x39: {  	s17 =	sshrl.u32 s17, $0x2;
	v4 =	vld [tilespmem:s19+$0xFFFFFFE0]  }
0x3a: {  	v5 =	vld [tilespmem:s19+$0xFFFFFFF0];
	s18 =	sor.u32 $0x8000, s17  }
0x3b: {  	s31 =	sand.u32 $0x1, s13;
	v1 =	vld [tilespmem:s19+$0x0];
	s20 =	sadd.s32 $0x0, s18  }
0x3c: {  	v2 =	vld [tilespmem:s19+$0x10];
	s17 =	smul.u32 $0x10200, s31;
	[tilespmem:s20+$0x3870 ss:$0x81] =	vst.msk $0xffff, v0  }
0x3d: {  	[tilespmem:s20+$0x810 ss:$0x81] =	vst.msk $0xffff, v3;
	v3 =	vld [tilespmem:s19+$0x20]  }
0x3e: {  	s17 =	sshrl.u32 s17, $0x2;
	v0 =	vld [tilespmem:s19+$0xFFFFFFC0];
	[tilespmem:s20+$0x1020 ss:$0x81] =	vst.msk $0xffff, v4;
	s19 =	sadd.s32 $0x80, s19  }
0x3f: {  	s21 =	simm.s32 $0x4;
	s22 =	simm.s32 $0x8;
	s17 =	sor.u32 $0x8000, s17;
	[tilespmem:s20+$0x1830 ss:$0x81] =	vst.msk $0xffff, v5;
	v4 =	vld [tilespmem:s19+$0x30]  }
.LBB1_3:
0x40: {  	p1 =	sne.s32 s22, $0x1FC;
	v5 =	vld [tilespmem:s19+$0xFFFFFFD0];
	[tilespmem:s20+$0x2040 ss:$0x81] =	vst.msk $0xffff, v1  }
0x41: {  	v6 =	vld [tilespmem:s19+$0xFFFFFFE0];
	[tilespmem:s20+$0x2850 ss:$0x81] =	vst.msk $0xffff, v2  }
0x42: {  	s23 =	sshra.s32 s21, $0x2;
	s21 =	smov.u32 s22;
	v7 =	vld [tilespmem:s19+$0xFFFFFFF0];
	[tilespmem:s20+$0x3060 ss:$0x81] =	vst.msk $0xffff, v3  }
.Ltmp3:
0x43: {  	v1 =	vld [tilespmem:s19+$0x0];
	[tilespmem:s20+$0x0 ss:$0x81] =	vst.msk $0xffff, v0;
	s20 =	sadd.s32 s23, s18;
	(pc) =	sbr.rel @p1 .LBB1_3-.Ltmp3, $4  }
0x44: {  	v2 =	vld [tilespmem:s19+$0x10];
	[tilespmem:s20+$0x3870 ss:$0x81] =	vst.msk $0xffff, v4  }
0x45: {  	[tilespmem:s20+$0x810 ss:$0x81] =	vst.msk $0xffff, v5;
	v3 =	vld [tilespmem:s19+$0x20]  }
0x46: {  	v0 =	vld [tilespmem:s19+$0xFFFFFFC0];
	[tilespmem:s20+$0x1020 ss:$0x81] =	vst.msk $0xffff, v6;
	s19 =	sadd.s32 $0x80, s19  }
0x47: {  	s22 =	sadd.s32 $0x4, s22;
	v4 =	vld [tilespmem:s19+$0x30];
	[tilespmem:s20+$0x1830 ss:$0x81] =	vst.msk $0xffff, v7  }
.Ltmp4:
0x48: {  	_ = 	snop;
	(pc) =	sbr.rel .LBB1_4-.Ltmp4, $1  }
0x49: {  	_ =	sdelay $0x3  }
.LBB1_6:
0x4a: {  	_ =	sfence.sel $0x180000  }
0x4b: {  	s2 =	simm.s32 $0x1;
	[bflag:$0x0] =	sbarrier.arrive $0xFFFF  }
0x4c: {  	s31 =	simm.s32 $0x2;
	[sflag:s2] =	ssyncpa.u1 $0x1  }
0x4d: {  	[sflag:s31] =	ssyncpa.u1 $0x1  }
0x4e: {  	p0 =	sne.s32 s0, $0x0;
	_ =	strace $0x90000053  }
0x4f: {  	s0 =	sadd.s32 @!p0 $0x100000, s1;
	[bflag:$0x2] =	sbarrier.arrive $0xFFFF  }
0x50: {  	[sflag:s0] =	ssyncadd.tile.s32 @!p0 $0x1;
	_ =	shalt  }
.Lfunc_end1:
_tile_overlayer_lowered:
.L_overlay_start_2:
0x51: {  	(tag) =	ssettag $0x2  }
0x52: {  	s0 =	rddreg [dreg:$0x0];
	s2 =	stileid.u32  }
0x53: {  	s1 =	rddreg [dreg:$0x1];
	p0 =	sne.s32 s2, $0x0  }
0x54: {  	s3 =	rddreg [dreg:$0x2];
	[bflag:$0x3] =	sbarrier.arrive $0xFFFF;
	s2 =	simm.s32 @!p0 $0x1C01  }
0x55: {  	[timem:s3], [sflag:s2] =	dma.local @!p0 [hbm:s0], s1  }
0x56: {  	s0 =	simm.s32 @!p0 $0x1  }
0x57: {  	_ =	swait.ge @!p0 [sflag:s0], s1  }
0x58: {  	s1 =	ssub.s32 @!p0 $0x0, s1;
	[sflag:s0] =	ssyncset.done @!p0 $0x0  }
0x59: {  	[sflag:s0] =	ssyncadd.s32 @!p0 s1  }
0x5a: {  	[bflag:$0x3] =	sbarrier.arrive $0xFFFF  }
0x5b: {  	_ =	shalt  }

</sc_bundles>
